<compile_context>
chip_gen: v7x
topology: tpu7x:2x2x1
jax: 0.10.2.dev20260603
libtpu: 0.0.44.dev20260713+nightly
codegen_flags: <defaults>
</compile_context>

<pallas_src>
import functools

import jax
import jax.numpy as jnp
from jax import lax
from jax.experimental import pallas as pl
from jax.experimental.pallas import tpu as pltpu
from jax.experimental.pallas import tpu_sc as plsc

N_NODES = 100000
VOCAB = 120
N_WORKERS = 16
CHUNK = 6272
TAIL = N_NODES - (N_WORKERS - 1) * CHUNK
CFG_BLOCK = 4096

_T = (((1,), (1,)), ((), ()))
_N = (((1,), (0,)), ((), ()))


def _dot(x, w, dn):
    return jax.lax.dot_general(x, w, dn, preferred_element_type=jnp.float32)


_SC_MESH = plsc.VectorSubcoreMesh(core_axis_name="c", subcore_axis_name="s",
                                  num_cores=1)


@functools.partial(
    pl.kernel,
    mesh=_SC_MESH,
    compiler_params=pltpu.CompilerParams(needs_layout_passes=False),
    out_type=jax.ShapeDtypeStruct((N_WORKERS, 128), jnp.float32),
    scratch_types=[
        pltpu.VMEM((CHUNK,), jnp.int32),
        pltpu.VMEM((2048,), jnp.float32),
        pltpu.VMEM((128,), jnp.float32),
    ],
)
def _sc_hist(ops_hbm, out_hbm, ops_v, acc_v, hist_v):
    wid = lax.axis_index("s")
    base = wid * CHUNK
    last = N_WORKERS - 1

    @pl.when(wid < last)
    def _():
        pltpu.sync_copy(ops_hbm.at[pl.ds(base, CHUNK)], ops_v)

    @pl.when(wid == last)
    def _():
        pltpu.sync_copy(ops_hbm.at[pl.ds(last * CHUNK, TAIL)],
                        ops_v.at[pl.ds(0, TAIL)])

    zeros16 = jnp.zeros((16,), jnp.float32)
    for j in range(128):
        acc_v[pl.ds(j * 16, 16)] = zeros16

    lane128 = lax.iota(jnp.int32, 16) * 128
    ones16 = jnp.ones((16,), jnp.float32)

    def body(i, carry):
        for k in range(4):
            v = ops_v[pl.ds(i * 64 + k * 16, 16)]
            plsc.addupdate_scatter(acc_v, [lane128 + v], ones16)
        return carry

    n_iters = jnp.where(wid < last, CHUNK // 64, TAIL // 64)
    lax.fori_loop(0, n_iters, body, 0)

    @pl.when(wid == last)
    def _():
        for off in (TAIL - 32, TAIL - 16):
            v = ops_v[pl.ds(off, 16)]
            plsc.addupdate_scatter(acc_v, [lane128 + v], ones16)

    for j in range(8):
        tot = acc_v[pl.ds(j * 16, 16)]
        for l in range(1, 16):
            tot = tot + acc_v[pl.ds(l * 128 + j * 16, 16)]
        hist_v[pl.ds(j * 16, 16)] = tot
    pltpu.sync_copy(hist_v, out_hbm.at[wid])


def _tc_kernel(part_ref, emb_ref, w1_ref, b1_ref, w2_ref, b2_ref,
               wfc_ref, bfc_ref, wfc2_ref, bfc2_ref, wfc3_ref, bfc3_ref,
               cfg_ref, out_ref, base_ref):
    pid = pl.program_id(0)

    @pl.when(pid == 0)
    def _():
        counts = jnp.sum(part_ref[...], axis=0, keepdims=True)
        lane = jax.lax.broadcasted_iota(jnp.int32, (1, 128), 1)
        counts = jnp.where(lane < VOCAB, counts, 0.0)

        h1 = jnp.maximum(_dot(emb_ref[...], w1_ref[...], _T) + b1_ref[...], 0.0)
        h2 = jnp.maximum(_dot(h1, w2_ref[...], _T) + b2_ref[...], 0.0)
        mean_vec = _dot(counts[:, :VOCAB], h2, _N) * (1.0 / N_NODES)
        base_ref[...] = _dot(mean_vec, wfc_ref[:, :128], _T) + bfc_ref[...]

    h = jnp.maximum(base_ref[...] + _dot(cfg_ref[...], wfc_ref[:, 128:], _T),
                    0.0)
    h = jnp.maximum(_dot(h, wfc2_ref[...], _T) + bfc2_ref[...], 0.0)
    out_ref[...] = (jnp.sum(h * wfc3_ref[...], axis=1, keepdims=True)
                    + bfc3_ref[0, 0])


def kernel(config, node_features, opcodes, edge_index, emb_table,
           W1, b1, W2, b2, Wfc, bfc, Wfc2, bfc2, Wfc3, bfc3):
    del node_features, edge_index
    n_cfg = config.shape[0]

    part = _sc_hist(opcodes)

    grid = (n_cfg // CFG_BLOCK,)
    full = lambda i: (0, 0)

    out = pl.pallas_call(
        _tc_kernel,
        grid=grid,
        in_specs=[
            pl.BlockSpec((N_WORKERS, 128), full),
            pl.BlockSpec((VOCAB, 128), full),
            pl.BlockSpec((128, 128), full),
            pl.BlockSpec((1, 128), full),
            pl.BlockSpec((128, 128), full),
            pl.BlockSpec((1, 128), full),
            pl.BlockSpec((128, 152), full),
            pl.BlockSpec((1, 128), full),
            pl.BlockSpec((128, 128), full),
            pl.BlockSpec((1, 128), full),
            pl.BlockSpec((1, 128), full),
            pl.BlockSpec(memory_space=pltpu.SMEM),
            pl.BlockSpec((CFG_BLOCK, 24), lambda i: (i, 0)),
        ],
        out_specs=pl.BlockSpec((CFG_BLOCK, 1), lambda i: (i, 0)),
        out_shape=jax.ShapeDtypeStruct((n_cfg, 1), jnp.float32),
        scratch_shapes=[pltpu.VMEM((1, 128), jnp.float32)],
    )(
        part, emb_table, W1, b1[None, :], W2, b2[None, :],
        Wfc, bfc[None, :], Wfc2, bfc2[None, :], Wfc3, bfc3.reshape(1, 1),
        config,
    )
    return out

# --- scband reference (transcript-rebuilt; emitter-appended) ---
"""Pipeline reference for scband-opcodes-88364657148324 (READ-ONLY COPY).

The authoritative reference and input builder live on the scoring server;
editing this copy changes nothing except your own understanding.
"""

import jax, jax.numpy as jnp
import numpy as np

N_NODES = 100000
N_EDGES = 1600000
B_CFG = 16384
HIDDEN = 128
OUT_CH = 128
EMB_DIM = 128
VOCAB = 120


def setup_inputs(seed: int = 0) -> dict:
    key = jax.random.key(seed)
    ks = jax.random.split(key, 16)
    config = jax.random.normal(ks[0], (B_CFG, 24), dtype=jnp.float32)
    node_features = jax.random.normal(ks[1], (N_NODES, 128), dtype=jnp.float32)
    opcodes = jax.random.randint(ks[2], (N_NODES,), 0, VOCAB, dtype=jnp.int32)
    edge_index = jax.random.randint(ks[3], (2, N_EDGES), 0, N_NODES, dtype=jnp.int32)
    emb_table = jax.random.normal(ks[4], (VOCAB, EMB_DIM), dtype=jnp.float32) * 0.02
    W1 = jax.random.normal(ks[5], (HIDDEN, EMB_DIM), dtype=jnp.float32) * (1.0 / np.sqrt(EMB_DIM))
    b1 = jnp.zeros((HIDDEN,), dtype=jnp.float32)
    W2 = jax.random.normal(ks[6], (HIDDEN, HIDDEN), dtype=jnp.float32) * (1.0 / np.sqrt(HIDDEN))
    b2 = jnp.zeros((HIDDEN,), dtype=jnp.float32)
    Wfc = jax.random.normal(ks[7], (OUT_CH, HIDDEN + 24), dtype=jnp.float32) * (1.0 / np.sqrt(HIDDEN + 24))
    bfc = jnp.zeros((OUT_CH,), dtype=jnp.float32)
    Wfc2 = jax.random.normal(ks[8], (HIDDEN, OUT_CH), dtype=jnp.float32) * (1.0 / np.sqrt(OUT_CH))
    bfc2 = jnp.zeros((HIDDEN,), dtype=jnp.float32)
    Wfc3 = jax.random.normal(ks[9], (1, HIDDEN), dtype=jnp.float32) * (1.0 / np.sqrt(HIDDEN))
    bfc3 = jnp.array([0.607150242], dtype=jnp.float32)
    return {
        "config": config,
        "node_features": node_features,
        "opcodes": opcodes,
        "edge_index": edge_index,
        "emb_table": emb_table,
        "W1": W1, "b1": b1,
        "W2": W2, "b2": b2,
        "Wfc": Wfc, "bfc": bfc,
        "Wfc2": Wfc2, "bfc2": bfc2,
        "Wfc3": Wfc3, "bfc3": bfc3,
    }


def reference(config, node_features, opcodes, edge_index, emb_table,
              W1, b1, W2, b2, Wfc, bfc, Wfc2, bfc2, Wfc3, bfc3):
    # x = self.embedding(opcodes.long())
    x = jnp.take(emb_table, opcodes, axis=0)
    # x = relu(emb_fc(x)); relu(emb_fc2(x))
    x = jax.nn.relu(x @ W1.T + b1)
    x = jax.nn.relu(x @ W2.T + b2)
    # x = torch.mean(x, 0)
    x = jnp.mean(x, axis=0)
    # x = x.repeat((config.shape[0], 1))
    x = jnp.tile(x[None, :], (config.shape[0], 1))
    # x = torch.cat([x, config], axis=1)
    x = jnp.concatenate([x, config], axis=1)
    x = jax.nn.relu(x @ Wfc.T + bfc)
    x = jax.nn.relu(x @ Wfc2.T + bfc2)
    x = x @ Wfc3.T + bfc3
    return x

if __name__ == "__main__":
    import jax
    _d = setup_inputs()
    print(jax.jit(kernel)(*tuple(_d.values())))

</pallas_src>

<mosaic_0001>
#map = affine_map<(d0, d1) -> (0)>
#map1 = affine_map<(d0, d1) -> (0, 0)>
module attributes {stable_mosaic.version = 14 : i64} {
  func.func @_sc_hist(%arg0: i32, %arg1: i32, %arg2: memref<100000xi32, #tpu.memory_space<hbm>>, %arg3: memref<16x128xf32, #tpu.memory_space<hbm>>, %arg4: memref<6272xi32, #tpu.memory_space<vmem>>, %arg5: memref<2048xf32, #tpu.memory_space<vmem>>, %arg6: memref<128xf32, #tpu.memory_space<vmem>>) attributes {dimension_semantics = [#tpu.dimension_semantics<core_parallel>, #tpu.dimension_semantics<subcore_parallel>], iteration_bounds = array<i64: 1, 16>, scalar_prefetch = 0 : i64, scratch_operands = 3 : i64, tpu.core_type = #tpu.core_type<sc_vector_subcore>, window_params = [{transform_indices = #map}, {transform_indices = #map1}]} {
    %mul3A = arith.constant 6272 : i32
    %mul3A_0 = arith.muli %arg1, %mul3A : i32
    %lt3A = arith.constant 15 : i32
    %lt3A_1 = arith.cmpi slt, %arg1, %lt3A : i32
    %convert_element_type3A = arith.extui %lt3A_1 : i1 to i32
    %cond3A = arith.constant 0 : i32
    %cond3A_2 = arith.cmpi ne, %convert_element_type3A, %cond3A : i32
    scf.if %cond3A_2 {
      "tpu.region"() ({
        %run_scoped3A = tpu.sem_alloc : memref<!tpu.dma_semaphore, #tpu.memory_space<semaphore_mem>>
        %dma_start3A = tpu.memref_slice %arg2[%mul3A_0] : memref<100000xi32, #tpu.memory_space<hbm>> -> memref<6272xi32, #tpu.memory_space<hbm>>
        %dma_start3A_675 = tpu.memref_slice %arg2[%mul3A_0] : memref<100000xi32, #tpu.memory_space<hbm>> -> memref<6272xi32, #tpu.memory_space<hbm>>
        tpu.enqueue_dma source(%dma_start3A_675 : memref<6272xi32, #tpu.memory_space<hbm>>) target(%arg4 : memref<6272xi32, #tpu.memory_space<vmem>>) target_semaphore(%run_scoped3A : memref<!tpu.dma_semaphore, #tpu.memory_space<semaphore_mem>>)
        %dma_wait3A = tpu.memref_slice %arg2[%mul3A_0] : memref<100000xi32, #tpu.memory_space<hbm>> -> memref<6272xi32, #tpu.memory_space<hbm>>
        %dma_wait3A_676 = tpu.memref_slice %arg2[%mul3A_0] : memref<100000xi32, #tpu.memory_space<hbm>> -> memref<6272xi32, #tpu.memory_space<hbm>>
        tpu.wait_dma2 semaphore(%run_scoped3A : memref<!tpu.dma_semaphore, #tpu.memory_space<semaphore_mem>>) src(%dma_wait3A_676 : memref<6272xi32, #tpu.memory_space<hbm>>) dst(%arg4 : memref<6272xi32, #tpu.memory_space<vmem>>)
        tpu.yield
      }) : () -> ()
    } else {
    }
    %eq3A = arith.constant 15 : i32
    %eq3A_3 = arith.cmpi eq, %arg1, %eq3A : i32
    %convert_element_type3A_4 = arith.extui %eq3A_3 : i1 to i32
    %cond3A_5 = arith.constant 0 : i32
    %cond3A_6 = arith.cmpi ne, %convert_element_type3A_4, %cond3A_5 : i32
    scf.if %cond3A_6 {
      "tpu.region"() ({
        %run_scoped3A = tpu.sem_alloc : memref<!tpu.dma_semaphore, #tpu.memory_space<semaphore_mem>>
        %dma_start3A = arith.constant 0 : i32
        %dma_start3A_675 = tpu.memref_slice %arg4[%dma_start3A] : memref<6272xi32, #tpu.memory_space<vmem>> -> memref<5920xi32, #tpu.memory_space<vmem>>
        %dma_start3A_676 = arith.constant 94080 : i32
        %dma_start3A_677 = tpu.memref_slice %arg2[%dma_start3A_676] : memref<100000xi32, #tpu.memory_space<hbm>> -> memref<5920xi32, #tpu.memory_space<hbm>>
        %dma_start3A_678 = arith.constant 0 : i32
        %dma_start3A_679 = tpu.memref_slice %arg4[%dma_start3A_678] : memref<6272xi32, #tpu.memory_space<vmem>> -> memref<5920xi32, #tpu.memory_space<vmem>>
        %dma_start3A_680 = arith.constant 94080 : i32
        %dma_start3A_681 = tpu.memref_slice %arg2[%dma_start3A_680] : memref<100000xi32, #tpu.memory_space<hbm>> -> memref<5920xi32, #tpu.memory_space<hbm>>
        tpu.enqueue_dma source(%dma_start3A_681 : memref<5920xi32, #tpu.memory_space<hbm>>) target(%dma_start3A_679 : memref<5920xi32, #tpu.memory_space<vmem>>) target_semaphore(%run_scoped3A : memref<!tpu.dma_semaphore, #tpu.memory_space<semaphore_mem>>)
        %dma_wait3A = arith.constant 0 : i32
        %dma_wait3A_682 = tpu.memref_slice %arg4[%dma_wait3A] : memref<6272xi32, #tpu.memory_space<vmem>> -> memref<5920xi32, #tpu.memory_space<vmem>>
        %dma_wait3A_683 = arith.constant 94080 : i32
        %dma_wait3A_684 = tpu.memref_slice %arg2[%dma_wait3A_683] : memref<100000xi32, #tpu.memory_space<hbm>> -> memref<5920xi32, #tpu.memory_space<hbm>>
        %dma_wait3A_685 = arith.constant 0 : i32
        %dma_wait3A_686 = tpu.memref_slice %arg4[%dma_wait3A_685] : memref<6272xi32, #tpu.memory_space<vmem>> -> memref<5920xi32, #tpu.memory_space<vmem>>
        %dma_wait3A_687 = arith.constant 94080 : i32
        %dma_wait3A_688 = tpu.memref_slice %arg2[%dma_wait3A_687] : memref<100000xi32, #tpu.memory_space<hbm>> -> memref<5920xi32, #tpu.memory_space<hbm>>
        tpu.wait_dma2 semaphore(%run_scoped3A : memref<!tpu.dma_semaphore, #tpu.memory_space<semaphore_mem>>) src(%dma_wait3A_688 : memref<5920xi32, #tpu.memory_space<hbm>>) dst(%dma_wait3A_686 : memref<5920xi32, #tpu.memory_space<vmem>>)
        tpu.yield
      }) : () -> ()
    } else {
    }
    %broadcast_in_dim3A = arith.constant 0.000000e+00 : f32
    %broadcast_in_dim3A_7 = vector.broadcast %broadcast_in_dim3A : f32 to vector<16xf32>
    %swap3A = arith.constant 0 : index
    %swap3A_8 = tpu.vector_load %arg5[%swap3A] {strides = array<i32>} : memref<2048xf32, #tpu.memory_space<vmem>>, vector<16xf32>,
    tpu.vector_store %arg5[%swap3A], %broadcast_in_dim3A_7 {strides = array<i32>} : memref<2048xf32, #tpu.memory_space<vmem>>, vector<16xf32>,
    %swap3A_9 = arith.constant 16 : index
    %swap3A_10 = tpu.vector_load %arg5[%swap3A_9] {strides = array<i32>} : memref<2048xf32, #tpu.memory_space<vmem>>, vector<16xf32>,
    tpu.vector_store %arg5[%swap3A_9], %broadcast_in_dim3A_7 {strides = array<i32>} : memref<2048xf32, #tpu.memory_space<vmem>>, vector<16xf32>,
    %swap3A_11 = arith.constant 32 : index
    %swap3A_12 = tpu.vector_load %arg5[%swap3A_11] {strides = array<i32>} : memref<2048xf32, #tpu.memory_space<vmem>>, vector<16xf32>,
    tpu.vector_store %arg5[%swap3A_11], %broadcast_in_dim3A_7 {strides = array<i32>} : memref<2048xf32, #tpu.memory_space<vmem>>, vector<16xf32>,
    %swap3A_13 = arith.constant 48 : index
    %swap3A_14 = tpu.vector_load %arg5[%swap3A_13] {strides = array<i32>} : memref<2048xf32, #tpu.memory_space<vmem>>, vector<16xf32>,
    tpu.vector_store %arg5[%swap3A_13], %broadcast_in_dim3A_7 {strides = array<i32>} : memref<2048xf32, #tpu.memory_space<vmem>>, vector<16xf32>,
    %swap3A_15 = arith.constant 64 : index
    %swap3A_16 = tpu.vector_load %arg5[%swap3A_15] {strides = array<i32>} : memref<2048xf32, #tpu.memory_space<vmem>>, vector<16xf32>,
    tpu.vector_store %arg5[%swap3A_15], %broadcast_in_dim3A_7 {strides = array<i32>} : memref<2048xf32, #tpu.memory_space<vmem>>, vector<16xf32>,
    %swap3A_17 = arith.constant 80 : index
    %swap3A_18 = tpu.vector_load %arg5[%swap3A_17] {strides = array<i32>} : memref<2048xf32, #tpu.memory_space<vmem>>, vector<16xf32>,
    tpu.vector_store %arg5[%swap3A_17], %broadcast_in_dim3A_7 {strides = array<i32>} : memref<2048xf32, #tpu.memory_space<vmem>>, vector<16xf32>,
    %swap3A_19 = arith.constant 96 : index
    %swap3A_20 = tpu.vector_load %arg5[%swap3A_19] {strides = array<i32>} : memref<2048xf32, #tpu.memory_space<vmem>>, vector<16xf32>,
    tpu.vector_store %arg5[%swap3A_19], %broadcast_in_dim3A_7 {strides = array<i32>} : memref<2048xf32, #tpu.memory_space<vmem>>, vector<16xf32>,
    %swap3A_21 = arith.constant 112 : index
    %swap3A_22 = tpu.vector_load %arg5[%swap3A_21] {strides = array<i32>} : memref<2048xf32, #tpu.memory_space<vmem>>, vector<16xf32>,
    tpu.vector_store %arg5[%swap3A_21], %broadcast_in_dim3A_7 {strides = array<i32>} : memref<2048xf32, #tpu.memory_space<vmem>>, vector<16xf32>,
    %swap3A_23 = arith.constant 128 : index
    %swap3A_24 = tpu.vector_load %arg5[%swap3A_23] {strides = array<i32>} : memref<2048xf32, #tpu.memory_space<vmem>>, vector<16xf32>,
    tpu.vector_store %arg5[%swap3A_23], %broadcast_in_dim3A_7 {strides = array<i32>} : memref<2048xf32, #tpu.memory_space<vmem>>, vector<16xf32>,
    %swap3A_25 = arith.constant 144 : index
    %swap3A_26 = tpu.vector_load %arg5[%swap3A_25] {strides = array<i32>} : memref<2048xf32, #tpu.memory_space<vmem>>, vector<16xf32>,
    tpu.vector_store %arg5[%swap3A_25], %broadcast_in_dim3A_7 {strides = array<i32>} : memref<2048xf32, #tpu.memory_space<vmem>>, vector<16xf32>,
    %swap3A_27 = arith.constant 160 : index
    %swap3A_28 = tpu.vector_load %arg5[%swap3A_27] {strides = array<i32>} : memref<2048xf32, #tpu.memory_space<vmem>>, vector<16xf32>,
    tpu.vector_store %arg5[%swap3A_27], %broadcast_in_dim3A_7 {strides = array<i32>} : memref<2048xf32, #tpu.memory_space<vmem>>, vector<16xf32>,
    %swap3A_29 = arith.constant 176 : index
    %swap3A_30 = tpu.vector_load %arg5[%swap3A_29] {strides = array<i32>} : memref<2048xf32, #tpu.memory_space<vmem>>, vector<16xf32>,
    tpu.vector_store %arg5[%swap3A_29], %broadcast_in_dim3A_7 {strides = array<i32>} : memref<2048xf32, #tpu.memory_space<vmem>>, vector<16xf32>,
    %swap3A_31 = arith.constant 192 : index
    %swap3A_32 = tpu.vector_load %arg5[%swap3A_31] {strides = array<i32>} : memref<2048xf32, #tpu.memory_space<vmem>>, vector<16xf32>,
    tpu.vector_store %arg5[%swap3A_31], %broadcast_in_dim3A_7 {strides = array<i32>} : memref<2048xf32, #tpu.memory_space<vmem>>, vector<16xf32>,
    %swap3A_33 = arith.constant 208 : index
    %swap3A_34 = tpu.vector_load %arg5[%swap3A_33] {strides = array<i32>} : memref<2048xf32, #tpu.memory_space<vmem>>, vector<16xf32>,
    tpu.vector_store %arg5[%swap3A_33], %broadcast_in_dim3A_7 {strides = array<i32>} : memref<2048xf32, #tpu.memory_space<vmem>>, vector<16xf32>,
    %swap3A_35 = arith.constant 224 : index
    %swap3A_36 = tpu.vector_load %arg5[%swap3A_35] {strides = array<i32>} : memref<2048xf32, #tpu.memory_space<vmem>>, vector<16xf32>,
    tpu.vector_store %arg5[%swap3A_35], %broadcast_in_dim3A_7 {strides = array<i32>} : memref<2048xf32, #tpu.memory_space<vmem>>, vector<16xf32>,
    %swap3A_37 = arith.constant 240 : index
    %swap3A_38 = tpu.vector_load %arg5[%swap3A_37] {strides = array<i32>} : memref<2048xf32, #tpu.memory_space<vmem>>, vector<16xf32>,
    tpu.vector_store %arg5[%swap3A_37], %broadcast_in_dim3A_7 {strides = array<i32>} : memref<2048xf32, #tpu.memory_space<vmem>>, vector<16xf32>,
    %swap3A_39 = arith.constant 256 : index
    %swap3A_40 = tpu.vector_load %arg5[%swap3A_39] {strides = array<i32>} : memref<2048xf32, #tpu.memory_space<vmem>>, vector<16xf32>,
    tpu.vector_store %arg5[%swap3A_39], %broadcast_in_dim3A_7 {strides = array<i32>} : memref<2048xf32, #tpu.memory_space<vmem>>, vector<16xf32>,
    %swap3A_41 = arith.constant 272 : index
    %swap3A_42 = tpu.vector_load %arg5[%swap3A_41] {strides = array<i32>} : memref<2048xf32, #tpu.memory_space<vmem>>, vector<16xf32>,
    tpu.vector_store %arg5[%swap3A_41], %broadcast_in_dim3A_7 {strides = array<i32>} : memref<2048xf32, #tpu.memory_space<vmem>>, vector<16xf32>,
    %swap3A_43 = arith.constant 288 : index
    %swap3A_44 = tpu.vector_load %arg5[%swap3A_43] {strides = array<i32>} : memref<2048xf32, #tpu.memory_space<vmem>>, vector<16xf32>,
    tpu.vector_store %arg5[%swap3A_43], %broadcast_in_dim3A_7 {strides = array<i32>} : memref<2048xf32, #tpu.memory_space<vmem>>, vector<16xf32>,
    %swap3A_45 = arith.constant 304 : index
    %swap3A_46 = tpu.vector_load %arg5[%swap3A_45] {strides = array<i32>} : memref<2048xf32, #tpu.memory_space<vmem>>, vector<16xf32>,
    tpu.vector_store %arg5[%swap3A_45], %broadcast_in_dim3A_7 {strides = array<i32>} : memref<2048xf32, #tpu.memory_space<vmem>>, vector<16xf32>,
    %swap3A_47 = arith.constant 320 : index
    %swap3A_48 = tpu.vector_load %arg5[%swap3A_47] {strides = array<i32>} : memref<2048xf32, #tpu.memory_space<vmem>>, vector<16xf32>,
    tpu.vector_store %arg5[%swap3A_47], %broadcast_in_dim3A_7 {strides = array<i32>} : memref<2048xf32, #tpu.memory_space<vmem>>, vector<16xf32>,
    %swap3A_49 = arith.constant 336 : index
    %swap3A_50 = tpu.vector_load %arg5[%swap3A_49] {strides = array<i32>} : memref<2048xf32, #tpu.memory_space<vmem>>, vector<16xf32>,
    tpu.vector_store %arg5[%swap3A_49], %broadcast_in_dim3A_7 {strides = array<i32>} : memref<2048xf32, #tpu.memory_space<vmem>>, vector<16xf32>,
    %swap3A_51 = arith.constant 352 : index
    %swap3A_52 = tpu.vector_load %arg5[%swap3A_51] {strides = array<i32>} : memref<2048xf32, #tpu.memory_space<vmem>>, vector<16xf32>,
    tpu.vector_store %arg5[%swap3A_51], %broadcast_in_dim3A_7 {strides = array<i32>} : memref<2048xf32, #tpu.memory_space<vmem>>, vector<16xf32>,
    %swap3A_53 = arith.constant 368 : index
    %swap3A_54 = tpu.vector_load %arg5[%swap3A_53] {strides = array<i32>} : memref<2048xf32, #tpu.memory_space<vmem>>, vector<16xf32>,
    tpu.vector_store %arg5[%swap3A_53], %broadcast_in_dim3A_7 {strides = array<i32>} : memref<2048xf32, #tpu.memory_space<vmem>>, vector<16xf32>,
    %swap3A_55 = arith.constant 384 : index
    %swap3A_56 = tpu.vector_load %arg5[%swap3A_55] {strides = array<i32>} : memref<2048xf32, #tpu.memory_space<vmem>>, vector<16xf32>,
    tpu.vector_store %arg5[%swap3A_55], %broadcast_in_dim3A_7 {strides = array<i32>} : memref<2048xf32, #tpu.memory_space<vmem>>, vector<16xf32>,
    %swap3A_57 = arith.constant 400 : index
    %swap3A_58 = tpu.vector_load %arg5[%swap3A_57] {strides = array<i32>} : memref<2048xf32, #tpu.memory_space<vmem>>, vector<16xf32>,
    tpu.vector_store %arg5[%swap3A_57], %broadcast_in_dim3A_7 {strides = array<i32>} : memref<2048xf32, #tpu.memory_space<vmem>>, vector<16xf32>,
    %swap3A_59 = arith.constant 416 : index
    %swap3A_60 = tpu.vector_load %arg5[%swap3A_59] {strides = array<i32>} : memref<2048xf32, #tpu.memory_space<vmem>>, vector<16xf32>,
    tpu.vector_store %arg5[%swap3A_59], %broadcast_in_dim3A_7 {strides = array<i32>} : memref<2048xf32, #tpu.memory_space<vmem>>, vector<16xf32>,
    %swap3A_61 = arith.constant 432 : index
    %swap3A_62 = tpu.vector_load %arg5[%swap3A_61] {strides = array<i32>} : memref<2048xf32, #tpu.memory_space<vmem>>, vector<16xf32>,
    tpu.vector_store %arg5[%swap3A_61], %broadcast_in_dim3A_7 {strides = array<i32>} : memref<2048xf32, #tpu.memory_space<vmem>>, vector<16xf32>,
    %swap3A_63 = arith.constant 448 : index
    %swap3A_64 = tpu.vector_load %arg5[%swap3A_63] {strides = array<i32>} : memref<2048xf32, #tpu.memory_space<vmem>>, vector<16xf32>,
    tpu.vector_store %arg5[%swap3A_63], %broadcast_in_dim3A_7 {strides = array<i32>} : memref<2048xf32, #tpu.memory_space<vmem>>, vector<16xf32>,
    %swap3A_65 = arith.constant 464 : index
    %swap3A_66 = tpu.vector_load %arg5[%swap3A_65] {strides = array<i32>} : memref<2048xf32, #tpu.memory_space<vmem>>, vector<16xf32>,
    tpu.vector_store %arg5[%swap3A_65], %broadcast_in_dim3A_7 {strides = array<i32>} : memref<2048xf32, #tpu.memory_space<vmem>>, vector<16xf32>,
    %swap3A_67 = arith.constant 480 : index
    %swap3A_68 = tpu.vector_load %arg5[%swap3A_67] {strides = array<i32>} : memref<2048xf32, #tpu.memory_space<vmem>>, vector<16xf32>,
    tpu.vector_store %arg5[%swap3A_67], %broadcast_in_dim3A_7 {strides = array<i32>} : memref<2048xf32, #tpu.memory_space<vmem>>, vector<16xf32>,
    %swap3A_69 = arith.constant 496 : index
    %swap3A_70 = tpu.vector_load %arg5[%swap3A_69] {strides = array<i32>} : memref<2048xf32, #tpu.memory_space<vmem>>, vector<16xf32>,
    tpu.vector_store %arg5[%swap3A_69], %broadcast_in_dim3A_7 {strides = array<i32>} : memref<2048xf32, #tpu.memory_space<vmem>>, vector<16xf32>,
    %swap3A_71 = arith.constant 512 : index
    %swap3A_72 = tpu.vector_load %arg5[%swap3A_71] {strides = array<i32>} : memref<2048xf32, #tpu.memory_space<vmem>>, vector<16xf32>,
    tpu.vector_store %arg5[%swap3A_71], %broadcast_in_dim3A_7 {strides = array<i32>} : memref<2048xf32, #tpu.memory_space<vmem>>, vector<16xf32>,
    %swap3A_73 = arith.constant 528 : index
    %swap3A_74 = tpu.vector_load %arg5[%swap3A_73] {strides = array<i32>} : memref<2048xf32, #tpu.memory_space<vmem>>, vector<16xf32>,
    tpu.vector_store %arg5[%swap3A_73], %broadcast_in_dim3A_7 {strides = array<i32>} : memref<2048xf32, #tpu.memory_space<vmem>>, vector<16xf32>,
    %swap3A_75 = arith.constant 544 : index
    %swap3A_76 = tpu.vector_load %arg5[%swap3A_75] {strides = array<i32>} : memref<2048xf32, #tpu.memory_space<vmem>>, vector<16xf32>,
    tpu.vector_store %arg5[%swap3A_75], %broadcast_in_dim3A_7 {strides = array<i32>} : memref<2048xf32, #tpu.memory_space<vmem>>, vector<16xf32>,
    %swap3A_77 = arith.constant 560 : index
    %swap3A_78 = tpu.vector_load %arg5[%swap3A_77] {strides = array<i32>} : memref<2048xf32, #tpu.memory_space<vmem>>, vector<16xf32>,
    tpu.vector_store %arg5[%swap3A_77], %broadcast_in_dim3A_7 {strides = array<i32>} : memref<2048xf32, #tpu.memory_space<vmem>>, vector<16xf32>,
    %swap3A_79 = arith.constant 576 : index
    %swap3A_80 = tpu.vector_load %arg5[%swap3A_79] {strides = array<i32>} : memref<2048xf32, #tpu.memory_space<vmem>>, vector<16xf32>,
    tpu.vector_store %arg5[%swap3A_79], %broadcast_in_dim3A_7 {strides = array<i32>} : memref<2048xf32, #tpu.memory_space<vmem>>, vector<16xf32>,
    %swap3A_81 = arith.constant 592 : index
    %swap3A_82 = tpu.vector_load %arg5[%swap3A_81] {strides = array<i32>} : memref<2048xf32, #tpu.memory_space<vmem>>, vector<16xf32>,
    tpu.vector_store %arg5[%swap3A_81], %broadcast_in_dim3A_7 {strides = array<i32>} : memref<2048xf32, #tpu.memory_space<vmem>>, vector<16xf32>,
    %swap3A_83 = arith.constant 608 : index
    %swap3A_84 = tpu.vector_load %arg5[%swap3A_83] {strides = array<i32>} : memref<2048xf32, #tpu.memory_space<vmem>>, vector<16xf32>,
    tpu.vector_store %arg5[%swap3A_83], %broadcast_in_dim3A_7 {strides = array<i32>} : memref<2048xf32, #tpu.memory_space<vmem>>, vector<16xf32>,
    %swap3A_85 = arith.constant 624 : index
    %swap3A_86 = tpu.vector_load %arg5[%swap3A_85] {strides = array<i32>} : memref<2048xf32, #tpu.memory_space<vmem>>, vector<16xf32>,
    tpu.vector_store %arg5[%swap3A_85], %broadcast_in_dim3A_7 {strides = array<i32>} : memref<2048xf32, #tpu.memory_space<vmem>>, vector<16xf32>,
    %swap3A_87 = arith.constant 640 : index
    %swap3A_88 = tpu.vector_load %arg5[%swap3A_87] {strides = array<i32>} : memref<2048xf32, #tpu.memory_space<vmem>>, vector<16xf32>,
    tpu.vector_store %arg5[%swap3A_87], %broadcast_in_dim3A_7 {strides = array<i32>} : memref<2048xf32, #tpu.memory_space<vmem>>, vector<16xf32>,
    %swap3A_89 = arith.constant 656 : index
    %swap3A_90 = tpu.vector_load %arg5[%swap3A_89] {strides = array<i32>} : memref<2048xf32, #tpu.memory_space<vmem>>, vector<16xf32>,
    tpu.vector_store %arg5[%swap3A_89], %broadcast_in_dim3A_7 {strides = array<i32>} : memref<2048xf32, #tpu.memory_space<vmem>>, vector<16xf32>,
    %swap3A_91 = arith.constant 672 : index
    %swap3A_92 = tpu.vector_load %arg5[%swap3A_91] {strides = array<i32>} : memref<2048xf32, #tpu.memory_space<vmem>>, vector<16xf32>,
    tpu.vector_store %arg5[%swap3A_91], %broadcast_in_dim3A_7 {strides = array<i32>} : memref<2048xf32, #tpu.memory_space<vmem>>, vector<16xf32>,
    %swap3A_93 = arith.constant 688 : index
    %swap3A_94 = tpu.vector_load %arg5[%swap3A_93] {strides = array<i32>} : memref<2048xf32, #tpu.memory_space<vmem>>, vector<16xf32>,
    tpu.vector_store %arg5[%swap3A_93], %broadcast_in_dim3A_7 {strides = array<i32>} : memref<2048xf32, #tpu.memory_space<vmem>>, vector<16xf32>,
    %swap3A_95 = arith.constant 704 : index
    %swap3A_96 = tpu.vector_load %arg5[%swap3A_95] {strides = array<i32>} : memref<2048xf32, #tpu.memory_space<vmem>>, vector<16xf32>,
    tpu.vector_store %arg5[%swap3A_95], %broadcast_in_dim3A_7 {strides = array<i32>} : memref<2048xf32, #tpu.memory_space<vmem>>, vector<16xf32>,
    %swap3A_97 = arith.constant 720 : index
    %swap3A_98 = tpu.vector_load %arg5[%swap3A_97] {strides = array<i32>} : memref<2048xf32, #tpu.memory_space<vmem>>, vector<16xf32>,
    tpu.vector_store %arg5[%swap3A_97], %broadcast_in_dim3A_7 {strides = array<i32>} : memref<2048xf32, #tpu.memory_space<vmem>>, vector<16xf32>,
    %swap3A_99 = arith.constant 736 : index
    %swap3A_100 = tpu.vector_load %arg5[%swap3A_99] {strides = array<i32>} : memref<2048xf32, #tpu.memory_space<vmem>>, vector<16xf32>,
    tpu.vector_store %arg5[%swap3A_99], %broadcast_in_dim3A_7 {strides = array<i32>} : memref<2048xf32, #tpu.memory_space<vmem>>, vector<16xf32>,
    %swap3A_101 = arith.constant 752 : index
    %swap3A_102 = tpu.vector_load %arg5[%swap3A_101] {strides = array<i32>} : memref<2048xf32, #tpu.memory_space<vmem>>, vector<16xf32>,
    tpu.vector_store %arg5[%swap3A_101], %broadcast_in_dim3A_7 {strides = array<i32>} : memref<2048xf32, #tpu.memory_space<vmem>>, vector<16xf32>,
    %swap3A_103 = arith.constant 768 : index
    %swap3A_104 = tpu.vector_load %arg5[%swap3A_103] {strides = array<i32>} : memref<2048xf32, #tpu.memory_space<vmem>>, vector<16xf32>,
    tpu.vector_store %arg5[%swap3A_103], %broadcast_in_dim3A_7 {strides = array<i32>} : memref<2048xf32, #tpu.memory_space<vmem>>, vector<16xf32>,
    %swap3A_105 = arith.constant 784 : index
    %swap3A_106 = tpu.vector_load %arg5[%swap3A_105] {strides = array<i32>} : memref<2048xf32, #tpu.memory_space<vmem>>, vector<16xf32>,
    tpu.vector_store %arg5[%swap3A_105], %broadcast_in_dim3A_7 {strides = array<i32>} : memref<2048xf32, #tpu.memory_space<vmem>>, vector<16xf32>,
    %swap3A_107 = arith.constant 800 : index
    %swap3A_108 = tpu.vector_load %arg5[%swap3A_107] {strides = array<i32>} : memref<2048xf32, #tpu.memory_space<vmem>>, vector<16xf32>,
    tpu.vector_store %arg5[%swap3A_107], %broadcast_in_dim3A_7 {strides = array<i32>} : memref<2048xf32, #tpu.memory_space<vmem>>, vector<16xf32>,
    %swap3A_109 = arith.constant 816 : index
    %swap3A_110 = tpu.vector_load %arg5[%swap3A_109] {strides = array<i32>} : memref<2048xf32, #tpu.memory_space<vmem>>, vector<16xf32>,
    tpu.vector_store %arg5[%swap3A_109], %broadcast_in_dim3A_7 {strides = array<i32>} : memref<2048xf32, #tpu.memory_space<vmem>>, vector<16xf32>,
    %swap3A_111 = arith.constant 832 : index
    %swap3A_112 = tpu.vector_load %arg5[%swap3A_111] {strides = array<i32>} : memref<2048xf32, #tpu.memory_space<vmem>>, vector<16xf32>,
    tpu.vector_store %arg5[%swap3A_111], %broadcast_in_dim3A_7 {strides = array<i32>} : memref<2048xf32, #tpu.memory_space<vmem>>, vector<16xf32>,
    %swap3A_113 = arith.constant 848 : index
    %swap3A_114 = tpu.vector_load %arg5[%swap3A_113] {strides = array<i32>} : memref<2048xf32, #tpu.memory_space<vmem>>, vector<16xf32>,
    tpu.vector_store %arg5[%swap3A_113], %broadcast_in_dim3A_7 {strides = array<i32>} : memref<2048xf32, #tpu.memory_space<vmem>>, vector<16xf32>,
    %swap3A_115 = arith.constant 864 : index
    %swap3A_116 = tpu.vector_load %arg5[%swap3A_115] {strides = array<i32>} : memref<2048xf32, #tpu.memory_space<vmem>>, vector<16xf32>,
    tpu.vector_store %arg5[%swap3A_115], %broadcast_in_dim3A_7 {strides = array<i32>} : memref<2048xf32, #tpu.memory_space<vmem>>, vector<16xf32>,
    %swap3A_117 = arith.constant 880 : index
    %swap3A_118 = tpu.vector_load %arg5[%swap3A_117] {strides = array<i32>} : memref<2048xf32, #tpu.memory_space<vmem>>, vector<16xf32>,
    tpu.vector_store %arg5[%swap3A_117], %broadcast_in_dim3A_7 {strides = array<i32>} : memref<2048xf32, #tpu.memory_space<vmem>>, vector<16xf32>,
    %swap3A_119 = arith.constant 896 : index
    %swap3A_120 = tpu.vector_load %arg5[%swap3A_119] {strides = array<i32>} : memref<2048xf32, #tpu.memory_space<vmem>>, vector<16xf32>,
    tpu.vector_store %arg5[%swap3A_119], %broadcast_in_dim3A_7 {strides = array<i32>} : memref<2048xf32, #tpu.memory_space<vmem>>, vector<16xf32>,
    %swap3A_121 = arith.constant 912 : index
    %swap3A_122 = tpu.vector_load %arg5[%swap3A_121] {strides = array<i32>} : memref<2048xf32, #tpu.memory_space<vmem>>, vector<16xf32>,
    tpu.vector_store %arg5[%swap3A_121], %broadcast_in_dim3A_7 {strides = array<i32>} : memref<2048xf32, #tpu.memory_space<vmem>>, vector<16xf32>,
    %swap3A_123 = arith.constant 928 : index
    %swap3A_124 = tpu.vector_load %arg5[%swap3A_123] {strides = array<i32>} : memref<2048xf32, #tpu.memory_space<vmem>>, vector<16xf32>,
    tpu.vector_store %arg5[%swap3A_123], %broadcast_in_dim3A_7 {strides = array<i32>} : memref<2048xf32, #tpu.memory_space<vmem>>, vector<16xf32>,
    %swap3A_125 = arith.constant 944 : index
    %swap3A_126 = tpu.vector_load %arg5[%swap3A_125] {strides = array<i32>} : memref<2048xf32, #tpu.memory_space<vmem>>, vector<16xf32>,
    tpu.vector_store %arg5[%swap3A_125], %broadcast_in_dim3A_7 {strides = array<i32>} : memref<2048xf32, #tpu.memory_space<vmem>>, vector<16xf32>,
    %swap3A_127 = arith.constant 960 : index
    %swap3A_128 = tpu.vector_load %arg5[%swap3A_127] {strides = array<i32>} : memref<2048xf32, #tpu.memory_space<vmem>>, vector<16xf32>,
    tpu.vector_store %arg5[%swap3A_127], %broadcast_in_dim3A_7 {strides = array<i32>} : memref<2048xf32, #tpu.memory_space<vmem>>, vector<16xf32>,
    %swap3A_129 = arith.constant 976 : index
    %swap3A_130 = tpu.vector_load %arg5[%swap3A_129] {strides = array<i32>} : memref<2048xf32, #tpu.memory_space<vmem>>, vector<16xf32>,
    tpu.vector_store %arg5[%swap3A_129], %broadcast_in_dim3A_7 {strides = array<i32>} : memref<2048xf32, #tpu.memory_space<vmem>>, vector<16xf32>,
    %swap3A_131 = arith.constant 992 : index
    %swap3A_132 = tpu.vector_load %arg5[%swap3A_131] {strides = array<i32>} : memref<2048xf32, #tpu.memory_space<vmem>>, vector<16xf32>,
    tpu.vector_store %arg5[%swap3A_131], %broadcast_in_dim3A_7 {strides = array<i32>} : memref<2048xf32, #tpu.memory_space<vmem>>, vector<16xf32>,
    %swap3A_133 = arith.constant 1008 : index
    %swap3A_134 = tpu.vector_load %arg5[%swap3A_133] {strides = array<i32>} : memref<2048xf32, #tpu.memory_space<vmem>>, vector<16xf32>,
    tpu.vector_store %arg5[%swap3A_133], %broadcast_in_dim3A_7 {strides = array<i32>} : memref<2048xf32, #tpu.memory_space<vmem>>, vector<16xf32>,
    %swap3A_135 = arith.constant 1024 : index
    %swap3A_136 = tpu.vector_load %arg5[%swap3A_135] {strides = array<i32>} : memref<2048xf32, #tpu.memory_space<vmem>>, vector<16xf32>,
    tpu.vector_store %arg5[%swap3A_135], %broadcast_in_dim3A_7 {strides = array<i32>} : memref<2048xf32, #tpu.memory_space<vmem>>, vector<16xf32>,
    %swap3A_137 = arith.constant 1040 : index
    %swap3A_138 = tpu.vector_load %arg5[%swap3A_137] {strides = array<i32>} : memref<2048xf32, #tpu.memory_space<vmem>>, vector<16xf32>,
    tpu.vector_store %arg5[%swap3A_137], %broadcast_in_dim3A_7 {strides = array<i32>} : memref<2048xf32, #tpu.memory_space<vmem>>, vector<16xf32>,
    %swap3A_139 = arith.constant 1056 : index
    %swap3A_140 = tpu.vector_load %arg5[%swap3A_139] {strides = array<i32>} : memref<2048xf32, #tpu.memory_space<vmem>>, vector<16xf32>,
    tpu.vector_store %arg5[%swap3A_139], %broadcast_in_dim3A_7 {strides = array<i32>} : memref<2048xf32, #tpu.memory_space<vmem>>, vector<16xf32>,
    %swap3A_141 = arith.constant 1072 : index
    %swap3A_142 = tpu.vector_load %arg5[%swap3A_141] {strides = array<i32>} : memref<2048xf32, #tpu.memory_space<vmem>>, vector<16xf32>,
    tpu.vector_store %arg5[%swap3A_141], %broadcast_in_dim3A_7 {strides = array<i32>} : memref<2048xf32, #tpu.memory_space<vmem>>, vector<16xf32>,
    %swap3A_143 = arith.constant 1088 : index
    %swap3A_144 = tpu.vector_load %arg5[%swap3A_143] {strides = array<i32>} : memref<2048xf32, #tpu.memory_space<vmem>>, vector<16xf32>,
    tpu.vector_store %arg5[%swap3A_143], %broadcast_in_dim3A_7 {strides = array<i32>} : memref<2048xf32, #tpu.memory_space<vmem>>, vector<16xf32>,
    %swap3A_145 = arith.constant 1104 : index
    %swap3A_146 = tpu.vector_load %arg5[%swap3A_145] {strides = array<i32>} : memref<2048xf32, #tpu.memory_space<vmem>>, vector<16xf32>,
    tpu.vector_store %arg5[%swap3A_145], %broadcast_in_dim3A_7 {strides = array<i32>} : memref<2048xf32, #tpu.memory_space<vmem>>, vector<16xf32>,
    %swap3A_147 = arith.constant 1120 : index
    %swap3A_148 = tpu.vector_load %arg5[%swap3A_147] {strides = array<i32>} : memref<2048xf32, #tpu.memory_space<vmem>>, vector<16xf32>,
    tpu.vector_store %arg5[%swap3A_147], %broadcast_in_dim3A_7 {strides = array<i32>} : memref<2048xf32, #tpu.memory_space<vmem>>, vector<16xf32>,
    %swap3A_149 = arith.constant 1136 : index
    %swap3A_150 = tpu.vector_load %arg5[%swap3A_149] {strides = array<i32>} : memref<2048xf32, #tpu.memory_space<vmem>>, vector<16xf32>,
    tpu.vector_store %arg5[%swap3A_149], %broadcast_in_dim3A_7 {strides = array<i32>} : memref<2048xf32, #tpu.memory_space<vmem>>, vector<16xf32>,
    %swap3A_151 = arith.constant 1152 : index
    %swap3A_152 = tpu.vector_load %arg5[%swap3A_151] {strides = array<i32>} : memref<2048xf32, #tpu.memory_space<vmem>>, vector<16xf32>,
    tpu.vector_store %arg5[%swap3A_151], %broadcast_in_dim3A_7 {strides = array<i32>} : memref<2048xf32, #tpu.memory_space<vmem>>, vector<16xf32>,
    %swap3A_153 = arith.constant 1168 : index
    %swap3A_154 = tpu.vector_load %arg5[%swap3A_153] {strides = array<i32>} : memref<2048xf32, #tpu.memory_space<vmem>>, vector<16xf32>,
    tpu.vector_store %arg5[%swap3A_153], %broadcast_in_dim3A_7 {strides = array<i32>} : memref<2048xf32, #tpu.memory_space<vmem>>, vector<16xf32>,
    %swap3A_155 = arith.constant 1184 : index
    %swap3A_156 = tpu.vector_load %arg5[%swap3A_155] {strides = array<i32>} : memref<2048xf32, #tpu.memory_space<vmem>>, vector<16xf32>,
    tpu.vector_store %arg5[%swap3A_155], %broadcast_in_dim3A_7 {strides = array<i32>} : memref<2048xf32, #tpu.memory_space<vmem>>, vector<16xf32>,
    %swap3A_157 = arith.constant 1200 : index
    %swap3A_158 = tpu.vector_load %arg5[%swap3A_157] {strides = array<i32>} : memref<2048xf32, #tpu.memory_space<vmem>>, vector<16xf32>,
    tpu.vector_store %arg5[%swap3A_157], %broadcast_in_dim3A_7 {strides = array<i32>} : memref<2048xf32, #tpu.memory_space<vmem>>, vector<16xf32>,
    %swap3A_159 = arith.constant 1216 : index
    %swap3A_160 = tpu.vector_load %arg5[%swap3A_159] {strides = array<i32>} : memref<2048xf32, #tpu.memory_space<vmem>>, vector<16xf32>,
    tpu.vector_store %arg5[%swap3A_159], %broadcast_in_dim3A_7 {strides = array<i32>} : memref<2048xf32, #tpu.memory_space<vmem>>, vector<16xf32>,
    %swap3A_161 = arith.constant 1232 : index
    %swap3A_162 = tpu.vector_load %arg5[%swap3A_161] {strides = array<i32>} : memref<2048xf32, #tpu.memory_space<vmem>>, vector<16xf32>,
    tpu.vector_store %arg5[%swap3A_161], %broadcast_in_dim3A_7 {strides = array<i32>} : memref<2048xf32, #tpu.memory_space<vmem>>, vector<16xf32>,
    %swap3A_163 = arith.constant 1248 : index
    %swap3A_164 = tpu.vector_load %arg5[%swap3A_163] {strides = array<i32>} : memref<2048xf32, #tpu.memory_space<vmem>>, vector<16xf32>,
    tpu.vector_store %arg5[%swap3A_163], %broadcast_in_dim3A_7 {strides = array<i32>} : memref<2048xf32, #tpu.memory_space<vmem>>, vector<16xf32>,
    %swap3A_165 = arith.constant 1264 : index
    %swap3A_166 = tpu.vector_load %arg5[%swap3A_165] {strides = array<i32>} : memref<2048xf32, #tpu.memory_space<vmem>>, vector<16xf32>,
    tpu.vector_store %arg5[%swap3A_165], %broadcast_in_dim3A_7 {strides = array<i32>} : memref<2048xf32, #tpu.memory_space<vmem>>, vector<16xf32>,
    %swap3A_167 = arith.constant 1280 : index
    %swap3A_168 = tpu.vector_load %arg5[%swap3A_167] {strides = array<i32>} : memref<2048xf32, #tpu.memory_space<vmem>>, vector<16xf32>,
    tpu.vector_store %arg5[%swap3A_167], %broadcast_in_dim3A_7 {strides = array<i32>} : memref<2048xf32, #tpu.memory_space<vmem>>, vector<16xf32>,
    %swap3A_169 = arith.constant 1296 : index
    %swap3A_170 = tpu.vector_load %arg5[%swap3A_169] {strides = array<i32>} : memref<2048xf32, #tpu.memory_space<vmem>>, vector<16xf32>,
    tpu.vector_store %arg5[%swap3A_169], %broadcast_in_dim3A_7 {strides = array<i32>} : memref<2048xf32, #tpu.memory_space<vmem>>, vector<16xf32>,
    %swap3A_171 = arith.constant 1312 : index
    %swap3A_172 = tpu.vector_load %arg5[%swap3A_171] {strides = array<i32>} : memref<2048xf32, #tpu.memory_space<vmem>>, vector<16xf32>,
    tpu.vector_store %arg5[%swap3A_171], %broadcast_in_dim3A_7 {strides = array<i32>} : memref<2048xf32, #tpu.memory_space<vmem>>, vector<16xf32>,
    %swap3A_173 = arith.constant 1328 : index
    %swap3A_174 = tpu.vector_load %arg5[%swap3A_173] {strides = array<i32>} : memref<2048xf32, #tpu.memory_space<vmem>>, vector<16xf32>,
    tpu.vector_store %arg5[%swap3A_173], %broadcast_in_dim3A_7 {strides = array<i32>} : memref<2048xf32, #tpu.memory_space<vmem>>, vector<16xf32>,
    %swap3A_175 = arith.constant 1344 : index
    %swap3A_176 = tpu.vector_load %arg5[%swap3A_175] {strides = array<i32>} : memref<2048xf32, #tpu.memory_space<vmem>>, vector<16xf32>,
    tpu.vector_store %arg5[%swap3A_175], %broadcast_in_dim3A_7 {strides = array<i32>} : memref<2048xf32, #tpu.memory_space<vmem>>, vector<16xf32>,
    %swap3A_177 = arith.constant 1360 : index
    %swap3A_178 = tpu.vector_load %arg5[%swap3A_177] {strides = array<i32>} : memref<2048xf32, #tpu.memory_space<vmem>>, vector<16xf32>,
    tpu.vector_store %arg5[%swap3A_177], %broadcast_in_dim3A_7 {strides = array<i32>} : memref<2048xf32, #tpu.memory_space<vmem>>, vector<16xf32>,
    %swap3A_179 = arith.constant 1376 : index
    %swap3A_180 = tpu.vector_load %arg5[%swap3A_179] {strides = array<i32>} : memref<2048xf32, #tpu.memory_space<vmem>>, vector<16xf32>,
    tpu.vector_store %arg5[%swap3A_179], %broadcast_in_dim3A_7 {strides = array<i32>} : memref<2048xf32, #tpu.memory_space<vmem>>, vector<16xf32>,
    %swap3A_181 = arith.constant 1392 : index
    %swap3A_182 = tpu.vector_load %arg5[%swap3A_181] {strides = array<i32>} : memref<2048xf32, #tpu.memory_space<vmem>>, vector<16xf32>,
    tpu.vector_store %arg5[%swap3A_181], %broadcast_in_dim3A_7 {strides = array<i32>} : memref<2048xf32, #tpu.memory_space<vmem>>, vector<16xf32>,
    %swap3A_183 = arith.constant 1408 : index
    %swap3A_184 = tpu.vector_load %arg5[%swap3A_183] {strides = array<i32>} : memref<2048xf32, #tpu.memory_space<vmem>>, vector<16xf32>,
    tpu.vector_store %arg5[%swap3A_183], %broadcast_in_dim3A_7 {strides = array<i32>} : memref<2048xf32, #tpu.memory_space<vmem>>, vector<16xf32>,
    %swap3A_185 = arith.constant 1424 : index
    %swap3A_186 = tpu.vector_load %arg5[%swap3A_185] {strides = array<i32>} : memref<2048xf32, #tpu.memory_space<vmem>>, vector<16xf32>,
    tpu.vector_store %arg5[%swap3A_185], %broadcast_in_dim3A_7 {strides = array<i32>} : memref<2048xf32, #tpu.memory_space<vmem>>, vector<16xf32>,
    %swap3A_187 = arith.constant 1440 : index
    %swap3A_188 = tpu.vector_load %arg5[%swap3A_187] {strides = array<i32>} : memref<2048xf32, #tpu.memory_space<vmem>>, vector<16xf32>,
    tpu.vector_store %arg5[%swap3A_187], %broadcast_in_dim3A_7 {strides = array<i32>} : memref<2048xf32, #tpu.memory_space<vmem>>, vector<16xf32>,
    %swap3A_189 = arith.constant 1456 : index
    %swap3A_190 = tpu.vector_load %arg5[%swap3A_189] {strides = array<i32>} : memref<2048xf32, #tpu.memory_space<vmem>>, vector<16xf32>,
    tpu.vector_store %arg5[%swap3A_189], %broadcast_in_dim3A_7 {strides = array<i32>} : memref<2048xf32, #tpu.memory_space<vmem>>, vector<16xf32>,
    %swap3A_191 = arith.constant 1472 : index
    %swap3A_192 = tpu.vector_load %arg5[%swap3A_191] {strides = array<i32>} : memref<2048xf32, #tpu.memory_space<vmem>>, vector<16xf32>,
    tpu.vector_store %arg5[%swap3A_191], %broadcast_in_dim3A_7 {strides = array<i32>} : memref<2048xf32, #tpu.memory_space<vmem>>, vector<16xf32>,
    %swap3A_193 = arith.constant 1488 : index
    %swap3A_194 = tpu.vector_load %arg5[%swap3A_193] {strides = array<i32>} : memref<2048xf32, #tpu.memory_space<vmem>>, vector<16xf32>,
    tpu.vector_store %arg5[%swap3A_193], %broadcast_in_dim3A_7 {strides = array<i32>} : memref<2048xf32, #tpu.memory_space<vmem>>, vector<16xf32>,
    %swap3A_195 = arith.constant 1504 : index
    %swap3A_196 = tpu.vector_load %arg5[%swap3A_195] {strides = array<i32>} : memref<2048xf32, #tpu.memory_space<vmem>>, vector<16xf32>,
    tpu.vector_store %arg5[%swap3A_195], %broadcast_in_dim3A_7 {strides = array<i32>} : memref<2048xf32, #tpu.memory_space<vmem>>, vector<16xf32>,
    %swap3A_197 = arith.constant 1520 : index
    %swap3A_198 = tpu.vector_load %arg5[%swap3A_197] {strides = array<i32>} : memref<2048xf32, #tpu.memory_space<vmem>>, vector<16xf32>,
    tpu.vector_store %arg5[%swap3A_197], %broadcast_in_dim3A_7 {strides = array<i32>} : memref<2048xf32, #tpu.memory_space<vmem>>, vector<16xf32>,
    %swap3A_199 = arith.constant 1536 : index
    %swap3A_200 = tpu.vector_load %arg5[%swap3A_199] {strides = array<i32>} : memref<2048xf32, #tpu.memory_space<vmem>>, vector<16xf32>,
    tpu.vector_store %arg5[%swap3A_199], %broadcast_in_dim3A_7 {strides = array<i32>} : memref<2048xf32, #tpu.memory_space<vmem>>, vector<16xf32>,
    %swap3A_201 = arith.constant 1552 : index
    %swap3A_202 = tpu.vector_load %arg5[%swap3A_201] {strides = array<i32>} : memref<2048xf32, #tpu.memory_space<vmem>>, vector<16xf32>,
    tpu.vector_store %arg5[%swap3A_201], %broadcast_in_dim3A_7 {strides = array<i32>} : memref<2048xf32, #tpu.memory_space<vmem>>, vector<16xf32>,
    %swap3A_203 = arith.constant 1568 : index
    %swap3A_204 = tpu.vector_load %arg5[%swap3A_203] {strides = array<i32>} : memref<2048xf32, #tpu.memory_space<vmem>>, vector<16xf32>,
    tpu.vector_store %arg5[%swap3A_203], %broadcast_in_dim3A_7 {strides = array<i32>} : memref<2048xf32, #tpu.memory_space<vmem>>, vector<16xf32>,
    %swap3A_205 = arith.constant 1584 : index
    %swap3A_206 = tpu.vector_load %arg5[%swap3A_205] {strides = array<i32>} : memref<2048xf32, #tpu.memory_space<vmem>>, vector<16xf32>,
    tpu.vector_store %arg5[%swap3A_205], %broadcast_in_dim3A_7 {strides = array<i32>} : memref<2048xf32, #tpu.memory_space<vmem>>, vector<16xf32>,
    %swap3A_207 = arith.constant 1600 : index
    %swap3A_208 = tpu.vector_load %arg5[%swap3A_207] {strides = array<i32>} : memref<2048xf32, #tpu.memory_space<vmem>>, vector<16xf32>,
    tpu.vector_store %arg5[%swap3A_207], %broadcast_in_dim3A_7 {strides = array<i32>} : memref<2048xf32, #tpu.memory_space<vmem>>, vector<16xf32>,
    %swap3A_209 = arith.constant 1616 : index
    %swap3A_210 = tpu.vector_load %arg5[%swap3A_209] {strides = array<i32>} : memref<2048xf32, #tpu.memory_space<vmem>>, vector<16xf32>,
    tpu.vector_store %arg5[%swap3A_209], %broadcast_in_dim3A_7 {strides = array<i32>} : memref<2048xf32, #tpu.memory_space<vmem>>, vector<16xf32>,
    %swap3A_211 = arith.constant 1632 : index
    %swap3A_212 = tpu.vector_load %arg5[%swap3A_211] {strides = array<i32>} : memref<2048xf32, #tpu.memory_space<vmem>>, vector<16xf32>,
    tpu.vector_store %arg5[%swap3A_211], %broadcast_in_dim3A_7 {strides = array<i32>} : memref<2048xf32, #tpu.memory_space<vmem>>, vector<16xf32>,
    %swap3A_213 = arith.constant 1648 : index
    %swap3A_214 = tpu.vector_load %arg5[%swap3A_213] {strides = array<i32>} : memref<2048xf32, #tpu.memory_space<vmem>>, vector<16xf32>,
    tpu.vector_store %arg5[%swap3A_213], %broadcast_in_dim3A_7 {strides = array<i32>} : memref<2048xf32, #tpu.memory_space<vmem>>, vector<16xf32>,
    %swap3A_215 = arith.constant 1664 : index
    %swap3A_216 = tpu.vector_load %arg5[%swap3A_215] {strides = array<i32>} : memref<2048xf32, #tpu.memory_space<vmem>>, vector<16xf32>,
    tpu.vector_store %arg5[%swap3A_215], %broadcast_in_dim3A_7 {strides = array<i32>} : memref<2048xf32, #tpu.memory_space<vmem>>, vector<16xf32>,
    %swap3A_217 = arith.constant 1680 : index
    %swap3A_218 = tpu.vector_load %arg5[%swap3A_217] {strides = array<i32>} : memref<2048xf32, #tpu.memory_space<vmem>>, vector<16xf32>,
    tpu.vector_store %arg5[%swap3A_217], %broadcast_in_dim3A_7 {strides = array<i32>} : memref<2048xf32, #tpu.memory_space<vmem>>, vector<16xf32>,
    %swap3A_219 = arith.constant 1696 : index
    %swap3A_220 = tpu.vector_load %arg5[%swap3A_219] {strides = array<i32>} : memref<2048xf32, #tpu.memory_space<vmem>>, vector<16xf32>,
    tpu.vector_store %arg5[%swap3A_219], %broadcast_in_dim3A_7 {strides = array<i32>} : memref<2048xf32, #tpu.memory_space<vmem>>, vector<16xf32>,
    %swap3A_221 = arith.constant 1712 : index
    %swap3A_222 = tpu.vector_load %arg5[%swap3A_221] {strides = array<i32>} : memref<2048xf32, #tpu.memory_space<vmem>>, vector<16xf32>,
    tpu.vector_store %arg5[%swap3A_221], %broadcast_in_dim3A_7 {strides = array<i32>} : memref<2048xf32, #tpu.memory_space<vmem>>, vector<16xf32>,
    %swap3A_223 = arith.constant 1728 : index
    %swap3A_224 = tpu.vector_load %arg5[%swap3A_223] {strides = array<i32>} : memref<2048xf32, #tpu.memory_space<vmem>>, vector<16xf32>,
    tpu.vector_store %arg5[%swap3A_223], %broadcast_in_dim3A_7 {strides = array<i32>} : memref<2048xf32, #tpu.memory_space<vmem>>, vector<16xf32>,
    %swap3A_225 = arith.constant 1744 : index
    %swap3A_226 = tpu.vector_load %arg5[%swap3A_225] {strides = array<i32>} : memref<2048xf32, #tpu.memory_space<vmem>>, vector<16xf32>,
    tpu.vector_store %arg5[%swap3A_225], %broadcast_in_dim3A_7 {strides = array<i32>} : memref<2048xf32, #tpu.memory_space<vmem>>, vector<16xf32>,
    %swap3A_227 = arith.constant 1760 : index
    %swap3A_228 = tpu.vector_load %arg5[%swap3A_227] {strides = array<i32>} : memref<2048xf32, #tpu.memory_space<vmem>>, vector<16xf32>,
    tpu.vector_store %arg5[%swap3A_227], %broadcast_in_dim3A_7 {strides = array<i32>} : memref<2048xf32, #tpu.memory_space<vmem>>, vector<16xf32>,
    %swap3A_229 = arith.constant 1776 : index
    %swap3A_230 = tpu.vector_load %arg5[%swap3A_229] {strides = array<i32>} : memref<2048xf32, #tpu.memory_space<vmem>>, vector<16xf32>,
    tpu.vector_store %arg5[%swap3A_229], %broadcast_in_dim3A_7 {strides = array<i32>} : memref<2048xf32, #tpu.memory_space<vmem>>, vector<16xf32>,
    %swap3A_231 = arith.constant 1792 : index
    %swap3A_232 = tpu.vector_load %arg5[%swap3A_231] {strides = array<i32>} : memref<2048xf32, #tpu.memory_space<vmem>>, vector<16xf32>,
    tpu.vector_store %arg5[%swap3A_231], %broadcast_in_dim3A_7 {strides = array<i32>} : memref<2048xf32, #tpu.memory_space<vmem>>, vector<16xf32>,
    %swap3A_233 = arith.constant 1808 : index
    %swap3A_234 = tpu.vector_load %arg5[%swap3A_233] {strides = array<i32>} : memref<2048xf32, #tpu.memory_space<vmem>>, vector<16xf32>,
    tpu.vector_store %arg5[%swap3A_233], %broadcast_in_dim3A_7 {strides = array<i32>} : memref<2048xf32, #tpu.memory_space<vmem>>, vector<16xf32>,
    %swap3A_235 = arith.constant 1824 : index
    %swap3A_236 = tpu.vector_load %arg5[%swap3A_235] {strides = array<i32>} : memref<2048xf32, #tpu.memory_space<vmem>>, vector<16xf32>,
    tpu.vector_store %arg5[%swap3A_235], %broadcast_in_dim3A_7 {strides = array<i32>} : memref<2048xf32, #tpu.memory_space<vmem>>, vector<16xf32>,
    %swap3A_237 = arith.constant 1840 : index
    %swap3A_238 = tpu.vector_load %arg5[%swap3A_237] {strides = array<i32>} : memref<2048xf32, #tpu.memory_space<vmem>>, vector<16xf32>,
    tpu.vector_store %arg5[%swap3A_237], %broadcast_in_dim3A_7 {strides = array<i32>} : memref<2048xf32, #tpu.memory_space<vmem>>, vector<16xf32>,
    %swap3A_239 = arith.constant 1856 : index
    %swap3A_240 = tpu.vector_load %arg5[%swap3A_239] {strides = array<i32>} : memref<2048xf32, #tpu.memory_space<vmem>>, vector<16xf32>,
    tpu.vector_store %arg5[%swap3A_239], %broadcast_in_dim3A_7 {strides = array<i32>} : memref<2048xf32, #tpu.memory_space<vmem>>, vector<16xf32>,
    %swap3A_241 = arith.constant 1872 : index
    %swap3A_242 = tpu.vector_load %arg5[%swap3A_241] {strides = array<i32>} : memref<2048xf32, #tpu.memory_space<vmem>>, vector<16xf32>,
    tpu.vector_store %arg5[%swap3A_241], %broadcast_in_dim3A_7 {strides = array<i32>} : memref<2048xf32, #tpu.memory_space<vmem>>, vector<16xf32>,
    %swap3A_243 = arith.constant 1888 : index
    %swap3A_244 = tpu.vector_load %arg5[%swap3A_243] {strides = array<i32>} : memref<2048xf32, #tpu.memory_space<vmem>>, vector<16xf32>,
    tpu.vector_store %arg5[%swap3A_243], %broadcast_in_dim3A_7 {strides = array<i32>} : memref<2048xf32, #tpu.memory_space<vmem>>, vector<16xf32>,
    %swap3A_245 = arith.constant 1904 : index
    %swap3A_246 = tpu.vector_load %arg5[%swap3A_245] {strides = array<i32>} : memref<2048xf32, #tpu.memory_space<vmem>>, vector<16xf32>,
    tpu.vector_store %arg5[%swap3A_245], %broadcast_in_dim3A_7 {strides = array<i32>} : memref<2048xf32, #tpu.memory_space<vmem>>, vector<16xf32>,
    %swap3A_247 = arith.constant 1920 : index
    %swap3A_248 = tpu.vector_load %arg5[%swap3A_247] {strides = array<i32>} : memref<2048xf32, #tpu.memory_space<vmem>>, vector<16xf32>,
    tpu.vector_store %arg5[%swap3A_247], %broadcast_in_dim3A_7 {strides = array<i32>} : memref<2048xf32, #tpu.memory_space<vmem>>, vector<16xf32>,
    %swap3A_249 = arith.constant 1936 : index
    %swap3A_250 = tpu.vector_load %arg5[%swap3A_249] {strides = array<i32>} : memref<2048xf32, #tpu.memory_space<vmem>>, vector<16xf32>,
    tpu.vector_store %arg5[%swap3A_249], %broadcast_in_dim3A_7 {strides = array<i32>} : memref<2048xf32, #tpu.memory_space<vmem>>, vector<16xf32>,
    %swap3A_251 = arith.constant 1952 : index
    %swap3A_252 = tpu.vector_load %arg5[%swap3A_251] {strides = array<i32>} : memref<2048xf32, #tpu.memory_space<vmem>>, vector<16xf32>,
    tpu.vector_store %arg5[%swap3A_251], %broadcast_in_dim3A_7 {strides = array<i32>} : memref<2048xf32, #tpu.memory_space<vmem>>, vector<16xf32>,
    %swap3A_253 = arith.constant 1968 : index
    %swap3A_254 = tpu.vector_load %arg5[%swap3A_253] {strides = array<i32>} : memref<2048xf32, #tpu.memory_space<vmem>>, vector<16xf32>,
    tpu.vector_store %arg5[%swap3A_253], %broadcast_in_dim3A_7 {strides = array<i32>} : memref<2048xf32, #tpu.memory_space<vmem>>, vector<16xf32>,
    %swap3A_255 = arith.constant 1984 : index
    %swap3A_256 = tpu.vector_load %arg5[%swap3A_255] {strides = array<i32>} : memref<2048xf32, #tpu.memory_space<vmem>>, vector<16xf32>,
    tpu.vector_store %arg5[%swap3A_255], %broadcast_in_dim3A_7 {strides = array<i32>} : memref<2048xf32, #tpu.memory_space<vmem>>, vector<16xf32>,
    %swap3A_257 = arith.constant 2000 : index
    %swap3A_258 = tpu.vector_load %arg5[%swap3A_257] {strides = array<i32>} : memref<2048xf32, #tpu.memory_space<vmem>>, vector<16xf32>,
    tpu.vector_store %arg5[%swap3A_257], %broadcast_in_dim3A_7 {strides = array<i32>} : memref<2048xf32, #tpu.memory_space<vmem>>, vector<16xf32>,
    %swap3A_259 = arith.constant 2016 : index
    %swap3A_260 = tpu.vector_load %arg5[%swap3A_259] {strides = array<i32>} : memref<2048xf32, #tpu.memory_space<vmem>>, vector<16xf32>,
    tpu.vector_store %arg5[%swap3A_259], %broadcast_in_dim3A_7 {strides = array<i32>} : memref<2048xf32, #tpu.memory_space<vmem>>, vector<16xf32>,
    %swap3A_261 = arith.constant 2032 : index
    %swap3A_262 = tpu.vector_load %arg5[%swap3A_261] {strides = array<i32>} : memref<2048xf32, #tpu.memory_space<vmem>>, vector<16xf32>,
    tpu.vector_store %arg5[%swap3A_261], %broadcast_in_dim3A_7 {strides = array<i32>} : memref<2048xf32, #tpu.memory_space<vmem>>, vector<16xf32>,
    %iota3A = tpu.iota {dimensions = array<i32: 0>} : vector<16xi32>
    %mul3A_263 = arith.constant 128 : i32
    %mul3A_264 = vector.broadcast %mul3A_263 : i32 to vector<16xi32>
    %mul3A_265 = arith.muli %iota3A, %mul3A_264 : vector<16xi32>
    %broadcast_in_dim3A_266 = arith.constant 1.000000e+00 : f32
    %broadcast_in_dim3A_267 = vector.broadcast %broadcast_in_dim3A_266 : f32 to vector<16xf32>
    %lt3A_268 = arith.constant 15 : i32
    %lt3A_269 = arith.cmpi slt, %arg1, %lt3A_268 : i32
    %jit3A = arith.constant 98 : i32
    %jit3A_270 = arith.constant 92 : i32
    %select_n3A = arith.select %lt3A_269, %jit3A, %jit3A_270 : i32
    %while3A = arith.constant 0 : i32
    %while3A_271 = arith.constant 0 : i32
    %while3A_272 = arith.subi %select_n3A, %while3A_271 : i32
    %while3A_273 = arith.addi %while3A_271, %while3A_272 : i32
    %while3A_274 = arith.constant 1 : i32
    %while3A_275 = arith.divsi %while3A_272, %while3A_274 : i32
    %while3A_276 = arith.muli %while3A_275, %while3A_274 : i32
    %while3A_277 = arith.addi %while3A_271, %while3A_276 : i32
    %while3A_278 = arith.constant 1 : i32
    scf.for %while3A_675 = %while3A_271 to %while3A_277 step %while3A_278  : i32 {
      %mul3A_676 = arith.constant 64 : i32
      %mul3A_677 = arith.muli %while3A_675, %mul3A_676 : i32
      %add3A_678 = arith.constant 0 : i32
      %add3A_679 = arith.addi %mul3A_677, %add3A_678 : i32
      %get3A_680 = arith.index_cast %add3A_679 : i32 to index
      %get3A_681 = tpu.vector_load %arg4[%get3A_680] {strides = array<i32>} : memref<6272xi32, #tpu.memory_space<vmem>>, vector<16xi32>,
      %add3A_682 = arith.addi %mul3A_265, %get3A_681 : vector<16xi32>
      tpu.vector_store_idx %arg5[%add3A_682], %broadcast_in_dim3A_267 {add = true} : memref<2048xf32, #tpu.memory_space<vmem>>[vector<16xi32>], vector<16xf32>,
      %mul3A_683 = arith.constant 64 : i32
      %mul3A_684 = arith.muli %while3A_675, %mul3A_683 : i32
      %add3A_685 = arith.constant 16 : i32
      %add3A_686 = arith.addi %mul3A_684, %add3A_685 : i32
      %get3A_687 = arith.index_cast %add3A_686 : i32 to index
      %get3A_688 = tpu.vector_load %arg4[%get3A_687] {strides = array<i32>} : memref<6272xi32, #tpu.memory_space<vmem>>, vector<16xi32>,
      %add3A_689 = arith.addi %mul3A_265, %get3A_688 : vector<16xi32>
      tpu.vector_store_idx %arg5[%add3A_689], %broadcast_in_dim3A_267 {add = true} : memref<2048xf32, #tpu.memory_space<vmem>>[vector<16xi32>], vector<16xf32>,
      %mul3A_690 = arith.constant 64 : i32
      %mul3A_691 = arith.muli %while3A_675, %mul3A_690 : i32
      %add3A_692 = arith.constant 32 : i32
      %add3A_693 = arith.addi %mul3A_691, %add3A_692 : i32
      %get3A_694 = arith.index_cast %add3A_693 : i32 to index
      %get3A_695 = tpu.vector_load %arg4[%get3A_694] {strides = array<i32>} : memref<6272xi32, #tpu.memory_space<vmem>>, vector<16xi32>,
      %add3A_696 = arith.addi %mul3A_265, %get3A_695 : vector<16xi32>
      tpu.vector_store_idx %arg5[%add3A_696], %broadcast_in_dim3A_267 {add = true} : memref<2048xf32, #tpu.memory_space<vmem>>[vector<16xi32>], vector<16xf32>,
      %mul3A_697 = arith.constant 64 : i32
      %mul3A_698 = arith.muli %while3A_675, %mul3A_697 : i32
      %add3A_699 = arith.constant 48 : i32
      %add3A_700 = arith.addi %mul3A_698, %add3A_699 : i32
      %get3A_701 = arith.index_cast %add3A_700 : i32 to index
      %get3A_702 = tpu.vector_load %arg4[%get3A_701] {strides = array<i32>} : memref<6272xi32, #tpu.memory_space<vmem>>, vector<16xi32>,
      %add3A_703 = arith.addi %mul3A_265, %get3A_702 : vector<16xi32>
      tpu.vector_store_idx %arg5[%add3A_703], %broadcast_in_dim3A_267 {add = true} : memref<2048xf32, #tpu.memory_space<vmem>>[vector<16xi32>], vector<16xf32>,
    }
    %while3A_279 = arith.constant 1 : i32
    scf.for %while3A_675 = %while3A_277 to %while3A_273 step %while3A_279  : i32 {
      %mul3A_676 = arith.constant 64 : i32
      %mul3A_677 = arith.muli %while3A_675, %mul3A_676 : i32
      %add3A_678 = arith.constant 0 : i32
      %add3A_679 = arith.addi %mul3A_677, %add3A_678 : i32
      %get3A_680 = arith.index_cast %add3A_679 : i32 to index
      %get3A_681 = tpu.vector_load %arg4[%get3A_680] {strides = array<i32>} : memref<6272xi32, #tpu.memory_space<vmem>>, vector<16xi32>,
      %add3A_682 = arith.addi %mul3A_265, %get3A_681 : vector<16xi32>
      tpu.vector_store_idx %arg5[%add3A_682], %broadcast_in_dim3A_267 {add = true} : memref<2048xf32, #tpu.memory_space<vmem>>[vector<16xi32>], vector<16xf32>,
      %mul3A_683 = arith.constant 64 : i32
      %mul3A_684 = arith.muli %while3A_675, %mul3A_683 : i32
      %add3A_685 = arith.constant 16 : i32
      %add3A_686 = arith.addi %mul3A_684, %add3A_685 : i32
      %get3A_687 = arith.index_cast %add3A_686 : i32 to index
      %get3A_688 = tpu.vector_load %arg4[%get3A_687] {strides = array<i32>} : memref<6272xi32, #tpu.memory_space<vmem>>, vector<16xi32>,
      %add3A_689 = arith.addi %mul3A_265, %get3A_688 : vector<16xi32>
      tpu.vector_store_idx %arg5[%add3A_689], %broadcast_in_dim3A_267 {add = true} : memref<2048xf32, #tpu.memory_space<vmem>>[vector<16xi32>], vector<16xf32>,
      %mul3A_690 = arith.constant 64 : i32
      %mul3A_691 = arith.muli %while3A_675, %mul3A_690 : i32
      %add3A_692 = arith.constant 32 : i32
      %add3A_693 = arith.addi %mul3A_691, %add3A_692 : i32
      %get3A_694 = arith.index_cast %add3A_693 : i32 to index
      %get3A_695 = tpu.vector_load %arg4[%get3A_694] {strides = array<i32>} : memref<6272xi32, #tpu.memory_space<vmem>>, vector<16xi32>,
      %add3A_696 = arith.addi %mul3A_265, %get3A_695 : vector<16xi32>
      tpu.vector_store_idx %arg5[%add3A_696], %broadcast_in_dim3A_267 {add = true} : memref<2048xf32, #tpu.memory_space<vmem>>[vector<16xi32>], vector<16xf32>,
      %mul3A_697 = arith.constant 64 : i32
      %mul3A_698 = arith.muli %while3A_675, %mul3A_697 : i32
      %add3A_699 = arith.constant 48 : i32
      %add3A_700 = arith.addi %mul3A_698, %add3A_699 : i32
      %get3A_701 = arith.index_cast %add3A_700 : i32 to index
      %get3A_702 = tpu.vector_load %arg4[%get3A_701] {strides = array<i32>} : memref<6272xi32, #tpu.memory_space<vmem>>, vector<16xi32>,
      %add3A_703 = arith.addi %mul3A_265, %get3A_702 : vector<16xi32>
      tpu.vector_store_idx %arg5[%add3A_703], %broadcast_in_dim3A_267 {add = true} : memref<2048xf32, #tpu.memory_space<vmem>>[vector<16xi32>], vector<16xf32>,
    }
    %eq3A_280 = arith.constant 15 : i32
    %eq3A_281 = arith.cmpi eq, %arg1, %eq3A_280 : i32
    %convert_element_type3A_282 = arith.extui %eq3A_281 : i1 to i32
    %cond3A_283 = arith.constant 0 : i32
    %cond3A_284 = arith.cmpi ne, %convert_element_type3A_282, %cond3A_283 : i32
    scf.if %cond3A_284 {
      %get3A_675 = arith.constant 5888 : index
      %get3A_676 = tpu.vector_load %arg4[%get3A_675] {strides = array<i32>} : memref<6272xi32, #tpu.memory_space<vmem>>, vector<16xi32>,
      %add3A_677 = arith.addi %mul3A_265, %get3A_676 : vector<16xi32>
      tpu.vector_store_idx %arg5[%add3A_677], %broadcast_in_dim3A_267 {add = true} : memref<2048xf32, #tpu.memory_space<vmem>>[vector<16xi32>], vector<16xf32>,
      %get3A_678 = arith.constant 5904 : index
      %get3A_679 = tpu.vector_load %arg4[%get3A_678] {strides = array<i32>} : memref<6272xi32, #tpu.memory_space<vmem>>, vector<16xi32>,
      %add3A_680 = arith.addi %mul3A_265, %get3A_679 : vector<16xi32>
      tpu.vector_store_idx %arg5[%add3A_680], %broadcast_in_dim3A_267 {add = true} : memref<2048xf32, #tpu.memory_space<vmem>>[vector<16xi32>], vector<16xf32>,
    } else {
    }
    %get3A = arith.constant 0 : index
    %get3A_285 = tpu.vector_load %arg5[%get3A] {strides = array<i32>} : memref<2048xf32, #tpu.memory_space<vmem>>, vector<16xf32>,
    %get3A_286 = arith.constant 128 : index
    %get3A_287 = tpu.vector_load %arg5[%get3A_286] {strides = array<i32>} : memref<2048xf32, #tpu.memory_space<vmem>>, vector<16xf32>,
    %add3A = arith.addf %get3A_285, %get3A_287 : vector<16xf32>
    %get3A_288 = arith.constant 256 : index
    %get3A_289 = tpu.vector_load %arg5[%get3A_288] {strides = array<i32>} : memref<2048xf32, #tpu.memory_space<vmem>>, vector<16xf32>,
    %add3A_290 = arith.addf %add3A, %get3A_289 : vector<16xf32>
    %get3A_291 = arith.constant 384 : index
    %get3A_292 = tpu.vector_load %arg5[%get3A_291] {strides = array<i32>} : memref<2048xf32, #tpu.memory_space<vmem>>, vector<16xf32>,
    %add3A_293 = arith.addf %add3A_290, %get3A_292 : vector<16xf32>
    %get3A_294 = arith.constant 512 : index
    %get3A_295 = tpu.vector_load %arg5[%get3A_294] {strides = array<i32>} : memref<2048xf32, #tpu.memory_space<vmem>>, vector<16xf32>,
    %add3A_296 = arith.addf %add3A_293, %get3A_295 : vector<16xf32>
    %get3A_297 = arith.constant 640 : index
    %get3A_298 = tpu.vector_load %arg5[%get3A_297] {strides = array<i32>} : memref<2048xf32, #tpu.memory_space<vmem>>, vector<16xf32>,
    %add3A_299 = arith.addf %add3A_296, %get3A_298 : vector<16xf32>
    %get3A_300 = arith.constant 768 : index
    %get3A_301 = tpu.vector_load %arg5[%get3A_300] {strides = array<i32>} : memref<2048xf32, #tpu.memory_space<vmem>>, vector<16xf32>,
    %add3A_302 = arith.addf %add3A_299, %get3A_301 : vector<16xf32>
    %get3A_303 = arith.constant 896 : index
    %get3A_304 = tpu.vector_load %arg5[%get3A_303] {strides = array<i32>} : memref<2048xf32, #tpu.memory_space<vmem>>, vector<16xf32>,
    %add3A_305 = arith.addf %add3A_302, %get3A_304 : vector<16xf32>
    %get3A_306 = arith.constant 1024 : index
    %get3A_307 = tpu.vector_load %arg5[%get3A_306] {strides = array<i32>} : memref<2048xf32, #tpu.memory_space<vmem>>, vector<16xf32>,
    %add3A_308 = arith.addf %add3A_305, %get3A_307 : vector<16xf32>
    %get3A_309 = arith.constant 1152 : index
    %get3A_310 = tpu.vector_load %arg5[%get3A_309] {strides = array<i32>} : memref<2048xf32, #tpu.memory_space<vmem>>, vector<16xf32>,
    %add3A_311 = arith.addf %add3A_308, %get3A_310 : vector<16xf32>
    %get3A_312 = arith.constant 1280 : index
    %get3A_313 = tpu.vector_load %arg5[%get3A_312] {strides = array<i32>} : memref<2048xf32, #tpu.memory_space<vmem>>, vector<16xf32>,
    %add3A_314 = arith.addf %add3A_311, %get3A_313 : vector<16xf32>
    %get3A_315 = arith.constant 1408 : index
    %get3A_316 = tpu.vector_load %arg5[%get3A_315] {strides = array<i32>} : memref<2048xf32, #tpu.memory_space<vmem>>, vector<16xf32>,
    %add3A_317 = arith.addf %add3A_314, %get3A_316 : vector<16xf32>
    %get3A_318 = arith.constant 1536 : index
    %get3A_319 = tpu.vector_load %arg5[%get3A_318] {strides = array<i32>} : memref<2048xf32, #tpu.memory_space<vmem>>, vector<16xf32>,
    %add3A_320 = arith.addf %add3A_317, %get3A_319 : vector<16xf32>
    %get3A_321 = arith.constant 1664 : index
    %get3A_322 = tpu.vector_load %arg5[%get3A_321] {strides = array<i32>} : memref<2048xf32, #tpu.memory_space<vmem>>, vector<16xf32>,
    %add3A_323 = arith.addf %add3A_320, %get3A_322 : vector<16xf32>
    %get3A_324 = arith.constant 1792 : index
    %get3A_325 = tpu.vector_load %arg5[%get3A_324] {strides = array<i32>} : memref<2048xf32, #tpu.memory_space<vmem>>, vector<16xf32>,
    %add3A_326 = arith.addf %add3A_323, %get3A_325 : vector<16xf32>
    %get3A_327 = arith.constant 1920 : index
    %get3A_328 = tpu.vector_load %arg5[%get3A_327] {strides = array<i32>} : memref<2048xf32, #tpu.memory_space<vmem>>, vector<16xf32>,
    %add3A_329 = arith.addf %add3A_326, %get3A_328 : vector<16xf32>
    %swap3A_330 = arith.constant 0 : index
    %swap3A_331 = tpu.vector_load %arg6[%swap3A_330] {strides = array<i32>} : memref<128xf32, #tpu.memory_space<vmem>>, vector<16xf32>,
    tpu.vector_store %arg6[%swap3A_330], %add3A_329 {strides = array<i32>} : memref<128xf32, #tpu.memory_space<vmem>>, vector<16xf32>,
    %get3A_332 = arith.constant 16 : index
    %get3A_333 = tpu.vector_load %arg5[%get3A_332] {strides = array<i32>} : memref<2048xf32, #tpu.memory_space<vmem>>, vector<16xf32>,
    %get3A_334 = arith.constant 144 : index
    %get3A_335 = tpu.vector_load %arg5[%get3A_334] {strides = array<i32>} : memref<2048xf32, #tpu.memory_space<vmem>>, vector<16xf32>,
    %add3A_336 = arith.addf %get3A_333, %get3A_335 : vector<16xf32>
    %get3A_337 = arith.constant 272 : index
    %get3A_338 = tpu.vector_load %arg5[%get3A_337] {strides = array<i32>} : memref<2048xf32, #tpu.memory_space<vmem>>, vector<16xf32>,
    %add3A_339 = arith.addf %add3A_336, %get3A_338 : vector<16xf32>
    %get3A_340 = arith.constant 400 : index
    %get3A_341 = tpu.vector_load %arg5[%get3A_340] {strides = array<i32>} : memref<2048xf32, #tpu.memory_space<vmem>>, vector<16xf32>,
    %add3A_342 = arith.addf %add3A_339, %get3A_341 : vector<16xf32>
    %get3A_343 = arith.constant 528 : index
    %get3A_344 = tpu.vector_load %arg5[%get3A_343] {strides = array<i32>} : memref<2048xf32, #tpu.memory_space<vmem>>, vector<16xf32>,
    %add3A_345 = arith.addf %add3A_342, %get3A_344 : vector<16xf32>
    %get3A_346 = arith.constant 656 : index
    %get3A_347 = tpu.vector_load %arg5[%get3A_346] {strides = array<i32>} : memref<2048xf32, #tpu.memory_space<vmem>>, vector<16xf32>,
    %add3A_348 = arith.addf %add3A_345, %get3A_347 : vector<16xf32>
    %get3A_349 = arith.constant 784 : index
    %get3A_350 = tpu.vector_load %arg5[%get3A_349] {strides = array<i32>} : memref<2048xf32, #tpu.memory_space<vmem>>, vector<16xf32>,
    %add3A_351 = arith.addf %add3A_348, %get3A_350 : vector<16xf32>
    %get3A_352 = arith.constant 912 : index
    %get3A_353 = tpu.vector_load %arg5[%get3A_352] {strides = array<i32>} : memref<2048xf32, #tpu.memory_space<vmem>>, vector<16xf32>,
    %add3A_354 = arith.addf %add3A_351, %get3A_353 : vector<16xf32>
    %get3A_355 = arith.constant 1040 : index
    %get3A_356 = tpu.vector_load %arg5[%get3A_355] {strides = array<i32>} : memref<2048xf32, #tpu.memory_space<vmem>>, vector<16xf32>,
    %add3A_357 = arith.addf %add3A_354, %get3A_356 : vector<16xf32>
    %get3A_358 = arith.constant 1168 : index
    %get3A_359 = tpu.vector_load %arg5[%get3A_358] {strides = array<i32>} : memref<2048xf32, #tpu.memory_space<vmem>>, vector<16xf32>,
    %add3A_360 = arith.addf %add3A_357, %get3A_359 : vector<16xf32>
    %get3A_361 = arith.constant 1296 : index
    %get3A_362 = tpu.vector_load %arg5[%get3A_361] {strides = array<i32>} : memref<2048xf32, #tpu.memory_space<vmem>>, vector<16xf32>,
    %add3A_363 = arith.addf %add3A_360, %get3A_362 : vector<16xf32>
    %get3A_364 = arith.constant 1424 : index
    %get3A_365 = tpu.vector_load %arg5[%get3A_364] {strides = array<i32>} : memref<2048xf32, #tpu.memory_space<vmem>>, vector<16xf32>,
    %add3A_366 = arith.addf %add3A_363, %get3A_365 : vector<16xf32>
    %get3A_367 = arith.constant 1552 : index
    %get3A_368 = tpu.vector_load %arg5[%get3A_367] {strides = array<i32>} : memref<2048xf32, #tpu.memory_space<vmem>>, vector<16xf32>,
    %add3A_369 = arith.addf %add3A_366, %get3A_368 : vector<16xf32>
    %get3A_370 = arith.constant 1680 : index
    %get3A_371 = tpu.vector_load %arg5[%get3A_370] {strides = array<i32>} : memref<2048xf32, #tpu.memory_space<vmem>>, vector<16xf32>,
    %add3A_372 = arith.addf %add3A_369, %get3A_371 : vector<16xf32>
    %get3A_373 = arith.constant 1808 : index
    %get3A_374 = tpu.vector_load %arg5[%get3A_373] {strides = array<i32>} : memref<2048xf32, #tpu.memory_space<vmem>>, vector<16xf32>,
    %add3A_375 = arith.addf %add3A_372, %get3A_374 : vector<16xf32>
    %get3A_376 = arith.constant 1936 : index
    %get3A_377 = tpu.vector_load %arg5[%get3A_376] {strides = array<i32>} : memref<2048xf32, #tpu.memory_space<vmem>>, vector<16xf32>,
    %add3A_378 = arith.addf %add3A_375, %get3A_377 : vector<16xf32>
    %swap3A_379 = arith.constant 16 : index
    %swap3A_380 = tpu.vector_load %arg6[%swap3A_379] {strides = array<i32>} : memref<128xf32, #tpu.memory_space<vmem>>, vector<16xf32>,
    tpu.vector_store %arg6[%swap3A_379], %add3A_378 {strides = array<i32>} : memref<128xf32, #tpu.memory_space<vmem>>, vector<16xf32>,
    %get3A_381 = arith.constant 32 : index
    %get3A_382 = tpu.vector_load %arg5[%get3A_381] {strides = array<i32>} : memref<2048xf32, #tpu.memory_space<vmem>>, vector<16xf32>,
    %get3A_383 = arith.constant 160 : index
    %get3A_384 = tpu.vector_load %arg5[%get3A_383] {strides = array<i32>} : memref<2048xf32, #tpu.memory_space<vmem>>, vector<16xf32>,
    %add3A_385 = arith.addf %get3A_382, %get3A_384 : vector<16xf32>
    %get3A_386 = arith.constant 288 : index
    %get3A_387 = tpu.vector_load %arg5[%get3A_386] {strides = array<i32>} : memref<2048xf32, #tpu.memory_space<vmem>>, vector<16xf32>,
    %add3A_388 = arith.addf %add3A_385, %get3A_387 : vector<16xf32>
    %get3A_389 = arith.constant 416 : index
    %get3A_390 = tpu.vector_load %arg5[%get3A_389] {strides = array<i32>} : memref<2048xf32, #tpu.memory_space<vmem>>, vector<16xf32>,
    %add3A_391 = arith.addf %add3A_388, %get3A_390 : vector<16xf32>
    %get3A_392 = arith.constant 544 : index
    %get3A_393 = tpu.vector_load %arg5[%get3A_392] {strides = array<i32>} : memref<2048xf32, #tpu.memory_space<vmem>>, vector<16xf32>,
    %add3A_394 = arith.addf %add3A_391, %get3A_393 : vector<16xf32>
    %get3A_395 = arith.constant 672 : index
    %get3A_396 = tpu.vector_load %arg5[%get3A_395] {strides = array<i32>} : memref<2048xf32, #tpu.memory_space<vmem>>, vector<16xf32>,
    %add3A_397 = arith.addf %add3A_394, %get3A_396 : vector<16xf32>
    %get3A_398 = arith.constant 800 : index
    %get3A_399 = tpu.vector_load %arg5[%get3A_398] {strides = array<i32>} : memref<2048xf32, #tpu.memory_space<vmem>>, vector<16xf32>,
    %add3A_400 = arith.addf %add3A_397, %get3A_399 : vector<16xf32>
    %get3A_401 = arith.constant 928 : index
    %get3A_402 = tpu.vector_load %arg5[%get3A_401] {strides = array<i32>} : memref<2048xf32, #tpu.memory_space<vmem>>, vector<16xf32>,
    %add3A_403 = arith.addf %add3A_400, %get3A_402 : vector<16xf32>
    %get3A_404 = arith.constant 1056 : index
    %get3A_405 = tpu.vector_load %arg5[%get3A_404] {strides = array<i32>} : memref<2048xf32, #tpu.memory_space<vmem>>, vector<16xf32>,
    %add3A_406 = arith.addf %add3A_403, %get3A_405 : vector<16xf32>
    %get3A_407 = arith.constant 1184 : index
    %get3A_408 = tpu.vector_load %arg5[%get3A_407] {strides = array<i32>} : memref<2048xf32, #tpu.memory_space<vmem>>, vector<16xf32>,
    %add3A_409 = arith.addf %add3A_406, %get3A_408 : vector<16xf32>
    %get3A_410 = arith.constant 1312 : index
    %get3A_411 = tpu.vector_load %arg5[%get3A_410] {strides = array<i32>} : memref<2048xf32, #tpu.memory_space<vmem>>, vector<16xf32>,
    %add3A_412 = arith.addf %add3A_409, %get3A_411 : vector<16xf32>
    %get3A_413 = arith.constant 1440 : index
    %get3A_414 = tpu.vector_load %arg5[%get3A_413] {strides = array<i32>} : memref<2048xf32, #tpu.memory_space<vmem>>, vector<16xf32>,
    %add3A_415 = arith.addf %add3A_412, %get3A_414 : vector<16xf32>
    %get3A_416 = arith.constant 1568 : index
    %get3A_417 = tpu.vector_load %arg5[%get3A_416] {strides = array<i32>} : memref<2048xf32, #tpu.memory_space<vmem>>, vector<16xf32>,
    %add3A_418 = arith.addf %add3A_415, %get3A_417 : vector<16xf32>
    %get3A_419 = arith.constant 1696 : index
    %get3A_420 = tpu.vector_load %arg5[%get3A_419] {strides = array<i32>} : memref<2048xf32, #tpu.memory_space<vmem>>, vector<16xf32>,
    %add3A_421 = arith.addf %add3A_418, %get3A_420 : vector<16xf32>
    %get3A_422 = arith.constant 1824 : index
    %get3A_423 = tpu.vector_load %arg5[%get3A_422] {strides = array<i32>} : memref<2048xf32, #tpu.memory_space<vmem>>, vector<16xf32>,
    %add3A_424 = arith.addf %add3A_421, %get3A_423 : vector<16xf32>
    %get3A_425 = arith.constant 1952 : index
    %get3A_426 = tpu.vector_load %arg5[%get3A_425] {strides = array<i32>} : memref<2048xf32, #tpu.memory_space<vmem>>, vector<16xf32>,
    %add3A_427 = arith.addf %add3A_424, %get3A_426 : vector<16xf32>
    %swap3A_428 = arith.constant 32 : index
    %swap3A_429 = tpu.vector_load %arg6[%swap3A_428] {strides = array<i32>} : memref<128xf32, #tpu.memory_space<vmem>>, vector<16xf32>,
    tpu.vector_store %arg6[%swap3A_428], %add3A_427 {strides = array<i32>} : memref<128xf32, #tpu.memory_space<vmem>>, vector<16xf32>,
    %get3A_430 = arith.constant 48 : index
    %get3A_431 = tpu.vector_load %arg5[%get3A_430] {strides = array<i32>} : memref<2048xf32, #tpu.memory_space<vmem>>, vector<16xf32>,
    %get3A_432 = arith.constant 176 : index
    %get3A_433 = tpu.vector_load %arg5[%get3A_432] {strides = array<i32>} : memref<2048xf32, #tpu.memory_space<vmem>>, vector<16xf32>,
    %add3A_434 = arith.addf %get3A_431, %get3A_433 : vector<16xf32>
    %get3A_435 = arith.constant 304 : index
    %get3A_436 = tpu.vector_load %arg5[%get3A_435] {strides = array<i32>} : memref<2048xf32, #tpu.memory_space<vmem>>, vector<16xf32>,
    %add3A_437 = arith.addf %add3A_434, %get3A_436 : vector<16xf32>
    %get3A_438 = arith.constant 432 : index
    %get3A_439 = tpu.vector_load %arg5[%get3A_438] {strides = array<i32>} : memref<2048xf32, #tpu.memory_space<vmem>>, vector<16xf32>,
    %add3A_440 = arith.addf %add3A_437, %get3A_439 : vector<16xf32>
    %get3A_441 = arith.constant 560 : index
    %get3A_442 = tpu.vector_load %arg5[%get3A_441] {strides = array<i32>} : memref<2048xf32, #tpu.memory_space<vmem>>, vector<16xf32>,
    %add3A_443 = arith.addf %add3A_440, %get3A_442 : vector<16xf32>
    %get3A_444 = arith.constant 688 : index
    %get3A_445 = tpu.vector_load %arg5[%get3A_444] {strides = array<i32>} : memref<2048xf32, #tpu.memory_space<vmem>>, vector<16xf32>,
    %add3A_446 = arith.addf %add3A_443, %get3A_445 : vector<16xf32>
    %get3A_447 = arith.constant 816 : index
    %get3A_448 = tpu.vector_load %arg5[%get3A_447] {strides = array<i32>} : memref<2048xf32, #tpu.memory_space<vmem>>, vector<16xf32>,
    %add3A_449 = arith.addf %add3A_446, %get3A_448 : vector<16xf32>
    %get3A_450 = arith.constant 944 : index
    %get3A_451 = tpu.vector_load %arg5[%get3A_450] {strides = array<i32>} : memref<2048xf32, #tpu.memory_space<vmem>>, vector<16xf32>,
    %add3A_452 = arith.addf %add3A_449, %get3A_451 : vector<16xf32>
    %get3A_453 = arith.constant 1072 : index
    %get3A_454 = tpu.vector_load %arg5[%get3A_453] {strides = array<i32>} : memref<2048xf32, #tpu.memory_space<vmem>>, vector<16xf32>,
    %add3A_455 = arith.addf %add3A_452, %get3A_454 : vector<16xf32>
    %get3A_456 = arith.constant 1200 : index
    %get3A_457 = tpu.vector_load %arg5[%get3A_456] {strides = array<i32>} : memref<2048xf32, #tpu.memory_space<vmem>>, vector<16xf32>,
    %add3A_458 = arith.addf %add3A_455, %get3A_457 : vector<16xf32>
    %get3A_459 = arith.constant 1328 : index
    %get3A_460 = tpu.vector_load %arg5[%get3A_459] {strides = array<i32>} : memref<2048xf32, #tpu.memory_space<vmem>>, vector<16xf32>,
    %add3A_461 = arith.addf %add3A_458, %get3A_460 : vector<16xf32>
    %get3A_462 = arith.constant 1456 : index
    %get3A_463 = tpu.vector_load %arg5[%get3A_462] {strides = array<i32>} : memref<2048xf32, #tpu.memory_space<vmem>>, vector<16xf32>,
    %add3A_464 = arith.addf %add3A_461, %get3A_463 : vector<16xf32>
    %get3A_465 = arith.constant 1584 : index
    %get3A_466 = tpu.vector_load %arg5[%get3A_465] {strides = array<i32>} : memref<2048xf32, #tpu.memory_space<vmem>>, vector<16xf32>,
    %add3A_467 = arith.addf %add3A_464, %get3A_466 : vector<16xf32>
    %get3A_468 = arith.constant 1712 : index
    %get3A_469 = tpu.vector_load %arg5[%get3A_468] {strides = array<i32>} : memref<2048xf32, #tpu.memory_space<vmem>>, vector<16xf32>,
    %add3A_470 = arith.addf %add3A_467, %get3A_469 : vector<16xf32>
    %get3A_471 = arith.constant 1840 : index
    %get3A_472 = tpu.vector_load %arg5[%get3A_471] {strides = array<i32>} : memref<2048xf32, #tpu.memory_space<vmem>>, vector<16xf32>,
    %add3A_473 = arith.addf %add3A_470, %get3A_472 : vector<16xf32>
    %get3A_474 = arith.constant 1968 : index
    %get3A_475 = tpu.vector_load %arg5[%get3A_474] {strides = array<i32>} : memref<2048xf32, #tpu.memory_space<vmem>>, vector<16xf32>,
    %add3A_476 = arith.addf %add3A_473, %get3A_475 : vector<16xf32>
    %swap3A_477 = arith.constant 48 : index
    %swap3A_478 = tpu.vector_load %arg6[%swap3A_477] {strides = array<i32>} : memref<128xf32, #tpu.memory_space<vmem>>, vector<16xf32>,
    tpu.vector_store %arg6[%swap3A_477], %add3A_476 {strides = array<i32>} : memref<128xf32, #tpu.memory_space<vmem>>, vector<16xf32>,
    %get3A_479 = arith.constant 64 : index
    %get3A_480 = tpu.vector_load %arg5[%get3A_479] {strides = array<i32>} : memref<2048xf32, #tpu.memory_space<vmem>>, vector<16xf32>,
    %get3A_481 = arith.constant 192 : index
    %get3A_482 = tpu.vector_load %arg5[%get3A_481] {strides = array<i32>} : memref<2048xf32, #tpu.memory_space<vmem>>, vector<16xf32>,
    %add3A_483 = arith.addf %get3A_480, %get3A_482 : vector<16xf32>
    %get3A_484 = arith.constant 320 : index
    %get3A_485 = tpu.vector_load %arg5[%get3A_484] {strides = array<i32>} : memref<2048xf32, #tpu.memory_space<vmem>>, vector<16xf32>,
    %add3A_486 = arith.addf %add3A_483, %get3A_485 : vector<16xf32>
    %get3A_487 = arith.constant 448 : index
    %get3A_488 = tpu.vector_load %arg5[%get3A_487] {strides = array<i32>} : memref<2048xf32, #tpu.memory_space<vmem>>, vector<16xf32>,
    %add3A_489 = arith.addf %add3A_486, %get3A_488 : vector<16xf32>
    %get3A_490 = arith.constant 576 : index
    %get3A_491 = tpu.vector_load %arg5[%get3A_490] {strides = array<i32>} : memref<2048xf32, #tpu.memory_space<vmem>>, vector<16xf32>,
    %add3A_492 = arith.addf %add3A_489, %get3A_491 : vector<16xf32>
    %get3A_493 = arith.constant 704 : index
    %get3A_494 = tpu.vector_load %arg5[%get3A_493] {strides = array<i32>} : memref<2048xf32, #tpu.memory_space<vmem>>, vector<16xf32>,
    %add3A_495 = arith.addf %add3A_492, %get3A_494 : vector<16xf32>
    %get3A_496 = arith.constant 832 : index
    %get3A_497 = tpu.vector_load %arg5[%get3A_496] {strides = array<i32>} : memref<2048xf32, #tpu.memory_space<vmem>>, vector<16xf32>,
    %add3A_498 = arith.addf %add3A_495, %get3A_497 : vector<16xf32>
    %get3A_499 = arith.constant 960 : index
    %get3A_500 = tpu.vector_load %arg5[%get3A_499] {strides = array<i32>} : memref<2048xf32, #tpu.memory_space<vmem>>, vector<16xf32>,
    %add3A_501 = arith.addf %add3A_498, %get3A_500 : vector<16xf32>
    %get3A_502 = arith.constant 1088 : index
    %get3A_503 = tpu.vector_load %arg5[%get3A_502] {strides = array<i32>} : memref<2048xf32, #tpu.memory_space<vmem>>, vector<16xf32>,
    %add3A_504 = arith.addf %add3A_501, %get3A_503 : vector<16xf32>
    %get3A_505 = arith.constant 1216 : index
    %get3A_506 = tpu.vector_load %arg5[%get3A_505] {strides = array<i32>} : memref<2048xf32, #tpu.memory_space<vmem>>, vector<16xf32>,
    %add3A_507 = arith.addf %add3A_504, %get3A_506 : vector<16xf32>
    %get3A_508 = arith.constant 1344 : index
    %get3A_509 = tpu.vector_load %arg5[%get3A_508] {strides = array<i32>} : memref<2048xf32, #tpu.memory_space<vmem>>, vector<16xf32>,
    %add3A_510 = arith.addf %add3A_507, %get3A_509 : vector<16xf32>
    %get3A_511 = arith.constant 1472 : index
    %get3A_512 = tpu.vector_load %arg5[%get3A_511] {strides = array<i32>} : memref<2048xf32, #tpu.memory_space<vmem>>, vector<16xf32>,
    %add3A_513 = arith.addf %add3A_510, %get3A_512 : vector<16xf32>
    %get3A_514 = arith.constant 1600 : index
    %get3A_515 = tpu.vector_load %arg5[%get3A_514] {strides = array<i32>} : memref<2048xf32, #tpu.memory_space<vmem>>, vector<16xf32>,
    %add3A_516 = arith.addf %add3A_513, %get3A_515 : vector<16xf32>
    %get3A_517 = arith.constant 1728 : index
    %get3A_518 = tpu.vector_load %arg5[%get3A_517] {strides = array<i32>} : memref<2048xf32, #tpu.memory_space<vmem>>, vector<16xf32>,
    %add3A_519 = arith.addf %add3A_516, %get3A_518 : vector<16xf32>
    %get3A_520 = arith.constant 1856 : index
    %get3A_521 = tpu.vector_load %arg5[%get3A_520] {strides = array<i32>} : memref<2048xf32, #tpu.memory_space<vmem>>, vector<16xf32>,
    %add3A_522 = arith.addf %add3A_519, %get3A_521 : vector<16xf32>
    %get3A_523 = arith.constant 1984 : index
    %get3A_524 = tpu.vector_load %arg5[%get3A_523] {strides = array<i32>} : memref<2048xf32, #tpu.memory_space<vmem>>, vector<16xf32>,
    %add3A_525 = arith.addf %add3A_522, %get3A_524 : vector<16xf32>
    %swap3A_526 = arith.constant 64 : index
    %swap3A_527 = tpu.vector_load %arg6[%swap3A_526] {strides = array<i32>} : memref<128xf32, #tpu.memory_space<vmem>>, vector<16xf32>,
    tpu.vector_store %arg6[%swap3A_526], %add3A_525 {strides = array<i32>} : memref<128xf32, #tpu.memory_space<vmem>>, vector<16xf32>,
    %get3A_528 = arith.constant 80 : index
    %get3A_529 = tpu.vector_load %arg5[%get3A_528] {strides = array<i32>} : memref<2048xf32, #tpu.memory_space<vmem>>, vector<16xf32>,
    %get3A_530 = arith.constant 208 : index
    %get3A_531 = tpu.vector_load %arg5[%get3A_530] {strides = array<i32>} : memref<2048xf32, #tpu.memory_space<vmem>>, vector<16xf32>,
    %add3A_532 = arith.addf %get3A_529, %get3A_531 : vector<16xf32>
    %get3A_533 = arith.constant 336 : index
    %get3A_534 = tpu.vector_load %arg5[%get3A_533] {strides = array<i32>} : memref<2048xf32, #tpu.memory_space<vmem>>, vector<16xf32>,
    %add3A_535 = arith.addf %add3A_532, %get3A_534 : vector<16xf32>
    %get3A_536 = arith.constant 464 : index
    %get3A_537 = tpu.vector_load %arg5[%get3A_536] {strides = array<i32>} : memref<2048xf32, #tpu.memory_space<vmem>>, vector<16xf32>,
    %add3A_538 = arith.addf %add3A_535, %get3A_537 : vector<16xf32>
    %get3A_539 = arith.constant 592 : index
    %get3A_540 = tpu.vector_load %arg5[%get3A_539] {strides = array<i32>} : memref<2048xf32, #tpu.memory_space<vmem>>, vector<16xf32>,
    %add3A_541 = arith.addf %add3A_538, %get3A_540 : vector<16xf32>
    %get3A_542 = arith.constant 720 : index
    %get3A_543 = tpu.vector_load %arg5[%get3A_542] {strides = array<i32>} : memref<2048xf32, #tpu.memory_space<vmem>>, vector<16xf32>,
    %add3A_544 = arith.addf %add3A_541, %get3A_543 : vector<16xf32>
    %get3A_545 = arith.constant 848 : index
    %get3A_546 = tpu.vector_load %arg5[%get3A_545] {strides = array<i32>} : memref<2048xf32, #tpu.memory_space<vmem>>, vector<16xf32>,
    %add3A_547 = arith.addf %add3A_544, %get3A_546 : vector<16xf32>
    %get3A_548 = arith.constant 976 : index
    %get3A_549 = tpu.vector_load %arg5[%get3A_548] {strides = array<i32>} : memref<2048xf32, #tpu.memory_space<vmem>>, vector<16xf32>,
    %add3A_550 = arith.addf %add3A_547, %get3A_549 : vector<16xf32>
    %get3A_551 = arith.constant 1104 : index
    %get3A_552 = tpu.vector_load %arg5[%get3A_551] {strides = array<i32>} : memref<2048xf32, #tpu.memory_space<vmem>>, vector<16xf32>,
    %add3A_553 = arith.addf %add3A_550, %get3A_552 : vector<16xf32>
    %get3A_554 = arith.constant 1232 : index
    %get3A_555 = tpu.vector_load %arg5[%get3A_554] {strides = array<i32>} : memref<2048xf32, #tpu.memory_space<vmem>>, vector<16xf32>,
    %add3A_556 = arith.addf %add3A_553, %get3A_555 : vector<16xf32>
    %get3A_557 = arith.constant 1360 : index
    %get3A_558 = tpu.vector_load %arg5[%get3A_557] {strides = array<i32>} : memref<2048xf32, #tpu.memory_space<vmem>>, vector<16xf32>,
    %add3A_559 = arith.addf %add3A_556, %get3A_558 : vector<16xf32>
    %get3A_560 = arith.constant 1488 : index
    %get3A_561 = tpu.vector_load %arg5[%get3A_560] {strides = array<i32>} : memref<2048xf32, #tpu.memory_space<vmem>>, vector<16xf32>,
    %add3A_562 = arith.addf %add3A_559, %get3A_561 : vector<16xf32>
    %get3A_563 = arith.constant 1616 : index
    %get3A_564 = tpu.vector_load %arg5[%get3A_563] {strides = array<i32>} : memref<2048xf32, #tpu.memory_space<vmem>>, vector<16xf32>,
    %add3A_565 = arith.addf %add3A_562, %get3A_564 : vector<16xf32>
    %get3A_566 = arith.constant 1744 : index
    %get3A_567 = tpu.vector_load %arg5[%get3A_566] {strides = array<i32>} : memref<2048xf32, #tpu.memory_space<vmem>>, vector<16xf32>,
    %add3A_568 = arith.addf %add3A_565, %get3A_567 : vector<16xf32>
    %get3A_569 = arith.constant 1872 : index
    %get3A_570 = tpu.vector_load %arg5[%get3A_569] {strides = array<i32>} : memref<2048xf32, #tpu.memory_space<vmem>>, vector<16xf32>,
    %add3A_571 = arith.addf %add3A_568, %get3A_570 : vector<16xf32>
    %get3A_572 = arith.constant 2000 : index
    %get3A_573 = tpu.vector_load %arg5[%get3A_572] {strides = array<i32>} : memref<2048xf32, #tpu.memory_space<vmem>>, vector<16xf32>,
    %add3A_574 = arith.addf %add3A_571, %get3A_573 : vector<16xf32>
    %swap3A_575 = arith.constant 80 : index
    %swap3A_576 = tpu.vector_load %arg6[%swap3A_575] {strides = array<i32>} : memref<128xf32, #tpu.memory_space<vmem>>, vector<16xf32>,
    tpu.vector_store %arg6[%swap3A_575], %add3A_574 {strides = array<i32>} : memref<128xf32, #tpu.memory_space<vmem>>, vector<16xf32>,
    %get3A_577 = arith.constant 96 : index
    %get3A_578 = tpu.vector_load %arg5[%get3A_577] {strides = array<i32>} : memref<2048xf32, #tpu.memory_space<vmem>>, vector<16xf32>,
    %get3A_579 = arith.constant 224 : index
    %get3A_580 = tpu.vector_load %arg5[%get3A_579] {strides = array<i32>} : memref<2048xf32, #tpu.memory_space<vmem>>, vector<16xf32>,
    %add3A_581 = arith.addf %get3A_578, %get3A_580 : vector<16xf32>
    %get3A_582 = arith.constant 352 : index
    %get3A_583 = tpu.vector_load %arg5[%get3A_582] {strides = array<i32>} : memref<2048xf32, #tpu.memory_space<vmem>>, vector<16xf32>,
    %add3A_584 = arith.addf %add3A_581, %get3A_583 : vector<16xf32>
    %get3A_585 = arith.constant 480 : index
    %get3A_586 = tpu.vector_load %arg5[%get3A_585] {strides = array<i32>} : memref<2048xf32, #tpu.memory_space<vmem>>, vector<16xf32>,
    %add3A_587 = arith.addf %add3A_584, %get3A_586 : vector<16xf32>
    %get3A_588 = arith.constant 608 : index
    %get3A_589 = tpu.vector_load %arg5[%get3A_588] {strides = array<i32>} : memref<2048xf32, #tpu.memory_space<vmem>>, vector<16xf32>,
    %add3A_590 = arith.addf %add3A_587, %get3A_589 : vector<16xf32>
    %get3A_591 = arith.constant 736 : index
    %get3A_592 = tpu.vector_load %arg5[%get3A_591] {strides = array<i32>} : memref<2048xf32, #tpu.memory_space<vmem>>, vector<16xf32>,
    %add3A_593 = arith.addf %add3A_590, %get3A_592 : vector<16xf32>
    %get3A_594 = arith.constant 864 : index
    %get3A_595 = tpu.vector_load %arg5[%get3A_594] {strides = array<i32>} : memref<2048xf32, #tpu.memory_space<vmem>>, vector<16xf32>,
    %add3A_596 = arith.addf %add3A_593, %get3A_595 : vector<16xf32>
    %get3A_597 = arith.constant 992 : index
    %get3A_598 = tpu.vector_load %arg5[%get3A_597] {strides = array<i32>} : memref<2048xf32, #tpu.memory_space<vmem>>, vector<16xf32>,
    %add3A_599 = arith.addf %add3A_596, %get3A_598 : vector<16xf32>
    %get3A_600 = arith.constant 1120 : index
    %get3A_601 = tpu.vector_load %arg5[%get3A_600] {strides = array<i32>} : memref<2048xf32, #tpu.memory_space<vmem>>, vector<16xf32>,
    %add3A_602 = arith.addf %add3A_599, %get3A_601 : vector<16xf32>
    %get3A_603 = arith.constant 1248 : index
    %get3A_604 = tpu.vector_load %arg5[%get3A_603] {strides = array<i32>} : memref<2048xf32, #tpu.memory_space<vmem>>, vector<16xf32>,
    %add3A_605 = arith.addf %add3A_602, %get3A_604 : vector<16xf32>
    %get3A_606 = arith.constant 1376 : index
    %get3A_607 = tpu.vector_load %arg5[%get3A_606] {strides = array<i32>} : memref<2048xf32, #tpu.memory_space<vmem>>, vector<16xf32>,
    %add3A_608 = arith.addf %add3A_605, %get3A_607 : vector<16xf32>
    %get3A_609 = arith.constant 1504 : index
    %get3A_610 = tpu.vector_load %arg5[%get3A_609] {strides = array<i32>} : memref<2048xf32, #tpu.memory_space<vmem>>, vector<16xf32>,
    %add3A_611 = arith.addf %add3A_608, %get3A_610 : vector<16xf32>
    %get3A_612 = arith.constant 1632 : index
    %get3A_613 = tpu.vector_load %arg5[%get3A_612] {strides = array<i32>} : memref<2048xf32, #tpu.memory_space<vmem>>, vector<16xf32>,
    %add3A_614 = arith.addf %add3A_611, %get3A_613 : vector<16xf32>
    %get3A_615 = arith.constant 1760 : index
    %get3A_616 = tpu.vector_load %arg5[%get3A_615] {strides = array<i32>} : memref<2048xf32, #tpu.memory_space<vmem>>, vector<16xf32>,
    %add3A_617 = arith.addf %add3A_614, %get3A_616 : vector<16xf32>
    %get3A_618 = arith.constant 1888 : index
    %get3A_619 = tpu.vector_load %arg5[%get3A_618] {strides = array<i32>} : memref<2048xf32, #tpu.memory_space<vmem>>, vector<16xf32>,
    %add3A_620 = arith.addf %add3A_617, %get3A_619 : vector<16xf32>
    %get3A_621 = arith.constant 2016 : index
    %get3A_622 = tpu.vector_load %arg5[%get3A_621] {strides = array<i32>} : memref<2048xf32, #tpu.memory_space<vmem>>, vector<16xf32>,
    %add3A_623 = arith.addf %add3A_620, %get3A_622 : vector<16xf32>
    %swap3A_624 = arith.constant 96 : index
    %swap3A_625 = tpu.vector_load %arg6[%swap3A_624] {strides = array<i32>} : memref<128xf32, #tpu.memory_space<vmem>>, vector<16xf32>,
    tpu.vector_store %arg6[%swap3A_624], %add3A_623 {strides = array<i32>} : memref<128xf32, #tpu.memory_space<vmem>>, vector<16xf32>,
    %get3A_626 = arith.constant 112 : index
    %get3A_627 = tpu.vector_load %arg5[%get3A_626] {strides = array<i32>} : memref<2048xf32, #tpu.memory_space<vmem>>, vector<16xf32>,
    %get3A_628 = arith.constant 240 : index
    %get3A_629 = tpu.vector_load %arg5[%get3A_628] {strides = array<i32>} : memref<2048xf32, #tpu.memory_space<vmem>>, vector<16xf32>,
    %add3A_630 = arith.addf %get3A_627, %get3A_629 : vector<16xf32>
    %get3A_631 = arith.constant 368 : index
    %get3A_632 = tpu.vector_load %arg5[%get3A_631] {strides = array<i32>} : memref<2048xf32, #tpu.memory_space<vmem>>, vector<16xf32>,
    %add3A_633 = arith.addf %add3A_630, %get3A_632 : vector<16xf32>
    %get3A_634 = arith.constant 496 : index
    %get3A_635 = tpu.vector_load %arg5[%get3A_634] {strides = array<i32>} : memref<2048xf32, #tpu.memory_space<vmem>>, vector<16xf32>,
    %add3A_636 = arith.addf %add3A_633, %get3A_635 : vector<16xf32>
    %get3A_637 = arith.constant 624 : index
    %get3A_638 = tpu.vector_load %arg5[%get3A_637] {strides = array<i32>} : memref<2048xf32, #tpu.memory_space<vmem>>, vector<16xf32>,
    %add3A_639 = arith.addf %add3A_636, %get3A_638 : vector<16xf32>
    %get3A_640 = arith.constant 752 : index
    %get3A_641 = tpu.vector_load %arg5[%get3A_640] {strides = array<i32>} : memref<2048xf32, #tpu.memory_space<vmem>>, vector<16xf32>,
    %add3A_642 = arith.addf %add3A_639, %get3A_641 : vector<16xf32>
    %get3A_643 = arith.constant 880 : index
    %get3A_644 = tpu.vector_load %arg5[%get3A_643] {strides = array<i32>} : memref<2048xf32, #tpu.memory_space<vmem>>, vector<16xf32>,
    %add3A_645 = arith.addf %add3A_642, %get3A_644 : vector<16xf32>
    %get3A_646 = arith.constant 1008 : index
    %get3A_647 = tpu.vector_load %arg5[%get3A_646] {strides = array<i32>} : memref<2048xf32, #tpu.memory_space<vmem>>, vector<16xf32>,
    %add3A_648 = arith.addf %add3A_645, %get3A_647 : vector<16xf32>
    %get3A_649 = arith.constant 1136 : index
    %get3A_650 = tpu.vector_load %arg5[%get3A_649] {strides = array<i32>} : memref<2048xf32, #tpu.memory_space<vmem>>, vector<16xf32>,
    %add3A_651 = arith.addf %add3A_648, %get3A_650 : vector<16xf32>
    %get3A_652 = arith.constant 1264 : index
    %get3A_653 = tpu.vector_load %arg5[%get3A_652] {strides = array<i32>} : memref<2048xf32, #tpu.memory_space<vmem>>, vector<16xf32>,
    %add3A_654 = arith.addf %add3A_651, %get3A_653 : vector<16xf32>
    %get3A_655 = arith.constant 1392 : index
    %get3A_656 = tpu.vector_load %arg5[%get3A_655] {strides = array<i32>} : memref<2048xf32, #tpu.memory_space<vmem>>, vector<16xf32>,
    %add3A_657 = arith.addf %add3A_654, %get3A_656 : vector<16xf32>
    %get3A_658 = arith.constant 1520 : index
    %get3A_659 = tpu.vector_load %arg5[%get3A_658] {strides = array<i32>} : memref<2048xf32, #tpu.memory_space<vmem>>, vector<16xf32>,
    %add3A_660 = arith.addf %add3A_657, %get3A_659 : vector<16xf32>
    %get3A_661 = arith.constant 1648 : index
    %get3A_662 = tpu.vector_load %arg5[%get3A_661] {strides = array<i32>} : memref<2048xf32, #tpu.memory_space<vmem>>, vector<16xf32>,
    %add3A_663 = arith.addf %add3A_660, %get3A_662 : vector<16xf32>
    %get3A_664 = arith.constant 1776 : index
    %get3A_665 = tpu.vector_load %arg5[%get3A_664] {strides = array<i32>} : memref<2048xf32, #tpu.memory_space<vmem>>, vector<16xf32>,
    %add3A_666 = arith.addf %add3A_663, %get3A_665 : vector<16xf32>
    %get3A_667 = arith.constant 1904 : index
    %get3A_668 = tpu.vector_load %arg5[%get3A_667] {strides = array<i32>} : memref<2048xf32, #tpu.memory_space<vmem>>, vector<16xf32>,
    %add3A_669 = arith.addf %add3A_666, %get3A_668 : vector<16xf32>
    %get3A_670 = arith.constant 2032 : index
    %get3A_671 = tpu.vector_load %arg5[%get3A_670] {strides = array<i32>} : memref<2048xf32, #tpu.memory_space<vmem>>, vector<16xf32>,
    %add3A_672 = arith.addf %add3A_669, %get3A_671 : vector<16xf32>
    %swap3A_673 = arith.constant 112 : index
    %swap3A_674 = tpu.vector_load %arg6[%swap3A_673] {strides = array<i32>} : memref<128xf32, #tpu.memory_space<vmem>>, vector<16xf32>,
    tpu.vector_store %arg6[%swap3A_673], %add3A_672 {strides = array<i32>} : memref<128xf32, #tpu.memory_space<vmem>>, vector<16xf32>,
    "tpu.region"() ({
      %run_scoped3A = tpu.sem_alloc : memref<!tpu.dma_semaphore, #tpu.memory_space<semaphore_mem>>
      %dma_start3A = arith.constant 0 : i32
      %dma_start3A_675 = tpu.memref_slice %arg3[%arg1, %dma_start3A] : memref<16x128xf32, #tpu.memory_space<hbm>> -> memref<1x128xf32, #tpu.memory_space<hbm>>
      %dma_start3A_676 = tpu.memref_squeeze %dma_start3A_675 : memref<1x128xf32, #tpu.memory_space<hbm>> -> memref<128xf32, #tpu.memory_space<hbm>>
      %dma_start3A_677 = arith.constant 0 : i32
      %dma_start3A_678 = tpu.memref_slice %arg3[%arg1, %dma_start3A_677] : memref<16x128xf32, #tpu.memory_space<hbm>> -> memref<1x128xf32, #tpu.memory_space<hbm>>
      %dma_start3A_679 = tpu.memref_squeeze %dma_start3A_678 : memref<1x128xf32, #tpu.memory_space<hbm>> -> memref<128xf32, #tpu.memory_space<hbm>>
      tpu.enqueue_dma source(%arg6 : memref<128xf32, #tpu.memory_space<vmem>>) target(%dma_start3A_679 : memref<128xf32, #tpu.memory_space<hbm>>) target_semaphore(%run_scoped3A : memref<!tpu.dma_semaphore, #tpu.memory_space<semaphore_mem>>)
      %dma_wait3A = arith.constant 0 : i32
      %dma_wait3A_680 = tpu.memref_slice %arg3[%arg1, %dma_wait3A] : memref<16x128xf32, #tpu.memory_space<hbm>> -> memref<1x128xf32, #tpu.memory_space<hbm>>
      %dma_wait3A_681 = tpu.memref_squeeze %dma_wait3A_680 : memref<1x128xf32, #tpu.memory_space<hbm>> -> memref<128xf32, #tpu.memory_space<hbm>>
      %dma_wait3A_682 = arith.constant 0 : i32
      %dma_wait3A_683 = tpu.memref_slice %arg3[%arg1, %dma_wait3A_682] : memref<16x128xf32, #tpu.memory_space<hbm>> -> memref<1x128xf32, #tpu.memory_space<hbm>>
      %dma_wait3A_684 = tpu.memref_squeeze %dma_wait3A_683 : memref<1x128xf32, #tpu.memory_space<hbm>> -> memref<128xf32, #tpu.memory_space<hbm>>
      tpu.wait_dma2 semaphore(%run_scoped3A : memref<!tpu.dma_semaphore, #tpu.memory_space<semaphore_mem>>) src(%arg6 : memref<128xf32, #tpu.memory_space<vmem>>) dst(%dma_wait3A_684 : memref<128xf32, #tpu.memory_space<hbm>>)
      tpu.yield
    }) : () -> ()
    return
  }
}

module attributes {stable_mosaic.version = 14 : i64} {
  func.func @_tc_kernel(%arg0: i32, %arg1: memref<16x128xf32, #tpu.memory_space<vmem>>, %arg2: memref<120x128xf32, #tpu.memory_space<vmem>>, %arg3: memref<128x128xf32, #tpu.memory_space<vmem>>, %arg4: memref<1x128xf32, #tpu.memory_space<vmem>>, %arg5: memref<128x128xf32, #tpu.memory_space<vmem>>, %arg6: memref<1x128xf32, #tpu.memory_space<vmem>>, %arg7: memref<128x152xf32, #tpu.memory_space<vmem>>, %arg8: memref<1x128xf32, #tpu.memory_space<vmem>>, %arg9: memref<128x128xf32, #tpu.memory_space<vmem>>, %arg10: memref<1x128xf32, #tpu.memory_space<vmem>>, %arg11: memref<1x128xf32, #tpu.memory_space<vmem>>, %arg12: memref<1x1xf32, #tpu.memory_space<smem>>, %arg13: memref<4096x24xf32, #tpu.memory_space<vmem>>, %arg14: memref<4096x1xf32, #tpu.memory_space<vmem>>, %arg15: memref<1x128xf32, #tpu.memory_space<vmem>>) attributes {dimension_semantics = [#tpu.dimension_semantics<arbitrary>], iteration_bounds = array<i64: 4>, scalar_prefetch = 0 : i64, scratch_operands = 1 : i64, tpu.core_type = #tpu.core_type<tc>, window_params = [{pipeline_mode = #tpu.pipeline_mode<synchronous>, transform_indices = @transform_0, window_bounds = array<i64: 16, 128>}, {pipeline_mode = #tpu.pipeline_mode<synchronous>, transform_indices = @transform_1, window_bounds = array<i64: 120, 128>}, {pipeline_mode = #tpu.pipeline_mode<synchronous>, transform_indices = @transform_2, window_bounds = array<i64: 128, 128>}, {pipeline_mode = #tpu.pipeline_mode<synchronous>, transform_indices = @transform_3, window_bounds = array<i64: 1, 128>}, {pipeline_mode = #tpu.pipeline_mode<synchronous>, transform_indices = @transform_4, window_bounds = array<i64: 128, 128>}, {pipeline_mode = #tpu.pipeline_mode<synchronous>, transform_indices = @transform_5, window_bounds = array<i64: 1, 128>}, {pipeline_mode = #tpu.pipeline_mode<synchronous>, transform_indices = @transform_6, window_bounds = array<i64: 128, 152>}, {pipeline_mode = #tpu.pipeline_mode<synchronous>, transform_indices = @transform_7, window_bounds = array<i64: 1, 128>}, {pipeline_mode = #tpu.pipeline_mode<synchronous>, transform_indices = @transform_8, window_bounds = array<i64: 128, 128>}, {pipeline_mode = #tpu.pipeline_mode<synchronous>, transform_indices = @transform_9, window_bounds = array<i64: 1, 128>}, {pipeline_mode = #tpu.pipeline_mode<synchronous>, transform_indices = @transform_10, window_bounds = array<i64: 1, 128>}, {transform_indices = @transform_11, window_bounds = array<i64: 1, 1>}, {transform_indices = @transform_12, window_bounds = array<i64: 4096, 24>}, {transform_indices = @transform_13, window_bounds = array<i64: 4096, 1>}]} {
    %eq3A = arith.constant 0 : i32
    %eq3A_0 = arith.cmpi eq, %arg0, %eq3A : i32
    %convert_element_type3A = arith.extui %eq3A_0 : i1 to i32
    %cond3A = arith.constant 0 : i32
    %cond3A_1 = arith.cmpi ne, %convert_element_type3A, %cond3A : i32
    scf.if %cond3A_1 {
      %get3A_39 = arith.constant 0 : index
      %get3A_40 = arith.constant 0 : index
      %get3A_41 = vector.load %arg1[%get3A_39, %get3A_40] : memref<16x128xf32, #tpu.memory_space<vmem>>, vector<16x128xf32>
      %reduce_sum3A_42 = arith.constant dense<0.000000e+00> : vector<128xf32>
      %reduce_sum3A_43 = vector.multi_reduction <add>, %get3A_41, %reduce_sum3A_42 [0] : vector<16x128xf32> to vector<128xf32>
      %broadcast_in_dim3A_44 = vector.shape_cast %reduce_sum3A_43 : vector<128xf32> to vector<1x128xf32>
      %iota3A = tpu.iota {dimensions = array<i32: 1>} : vector<1x128xi32>
      %lt3A = arith.constant 120 : i32
      %lt3A_45 = vector.broadcast %lt3A : i32 to vector<1x128xi32>
      %lt3A_46 = arith.cmpi slt, %iota3A, %lt3A_45 : vector<1x128xi32>
      %jit3A = arith.constant 0.000000e+00 : f32
      %broadcast_in_dim3A_47 = vector.broadcast %jit3A : f32 to vector<1x128xf32>
      %select_n3A = arith.select %lt3A_46, %broadcast_in_dim3A_44, %broadcast_in_dim3A_47 : vector<1x128xi1>, vector<1x128xf32>
      %get3A_48 = arith.constant 0 : index
      %get3A_49 = arith.constant 0 : index
      %get3A_50 = vector.load %arg2[%get3A_48, %get3A_49] : memref<120x128xf32, #tpu.memory_space<vmem>>, vector<120x128xf32>
      %get3A_51 = arith.constant 0 : index
      %get3A_52 = arith.constant 0 : index
      %get3A_53 = vector.load %arg3[%get3A_51, %get3A_52] : memref<128x128xf32, #tpu.memory_space<vmem>>, vector<128x128xf32>
      %dot_general3A_54 = arith.constant dense<0.000000e+00> : vector<120x128xf32>
      %dot_general3A_55 = tpu.matmul %get3A_50, %get3A_53, %dot_general3A_54 {dimension_numbers = #tpu.dot_dimension_numbers<[1], [1], [0], [0], [0, 0, 1, 0], [], []>, transpose_lhs_hint = false} : vector<120x128xf32>, vector<128x128xf32>, vector<120x128xf32> -> vector<120x128xf32>
      %get3A_56 = arith.constant 0 : index
      %get3A_57 = arith.constant 0 : index
      %get3A_58 = vector.load %arg4[%get3A_56, %get3A_57] : memref<1x128xf32, #tpu.memory_space<vmem>>, vector<1x128xf32>
      %add3A_59 = vector.broadcast %get3A_58 : vector<1x128xf32> to vector<120x128xf32>
      %add3A_60 = arith.addf %dot_general3A_55, %add3A_59 : vector<120x128xf32>
      %max3A_61 = arith.constant 0.000000e+00 : f32
      %max3A_62 = vector.broadcast %max3A_61 : f32 to vector<120x128xf32>
      %max3A_63 = arith.maximumf %add3A_60, %max3A_62 : vector<120x128xf32>
      %get3A_64 = arith.constant 0 : index
      %get3A_65 = arith.constant 0 : index
      %get3A_66 = vector.load %arg5[%get3A_64, %get3A_65] : memref<128x128xf32, #tpu.memory_space<vmem>>, vector<128x128xf32>
      %dot_general3A_67 = arith.constant dense<0.000000e+00> : vector<120x128xf32>
      %dot_general3A_68 = tpu.matmul %max3A_63, %get3A_66, %dot_general3A_67 {dimension_numbers = #tpu.dot_dimension_numbers<[1], [1], [0], [0], [0, 0, 1, 0], [], []>, transpose_lhs_hint = false} : vector<120x128xf32>, vector<128x128xf32>, vector<120x128xf32> -> vector<120x128xf32>
      %get3A_69 = arith.constant 0 : index
      %get3A_70 = arith.constant 0 : index
      %get3A_71 = vector.load %arg6[%get3A_69, %get3A_70] : memref<1x128xf32, #tpu.memory_space<vmem>>, vector<1x128xf32>
      %add3A_72 = vector.broadcast %get3A_71 : vector<1x128xf32> to vector<120x128xf32>
      %add3A_73 = arith.addf %dot_general3A_68, %add3A_72 : vector<120x128xf32>
      %max3A_74 = arith.constant 0.000000e+00 : f32
      %max3A_75 = vector.broadcast %max3A_74 : f32 to vector<120x128xf32>
      %max3A_76 = arith.maximumf %add3A_73, %max3A_75 : vector<120x128xf32>
      %slice3A = vector.extract_strided_slice %select_n3A {offsets = [0, 0], sizes = [1, 120], strides = [1, 1]} : vector<1x128xf32> to vector<1x120xf32>
      %dot_general3A_77 = arith.constant dense<0.000000e+00> : vector<1x128xf32>
      %dot_general3A_78 = tpu.matmul %slice3A, %max3A_76, %dot_general3A_77 {dimension_numbers = #tpu.dot_dimension_numbers<[1], [0], [0], [1], [0, 0, 1, 1], [], []>, transpose_lhs_hint = false} : vector<1x120xf32>, vector<120x128xf32>, vector<1x128xf32> -> vector<1x128xf32>
      %mul3A_79 = arith.constant 9.99999974E-6 : f32
      %mul3A_80 = vector.broadcast %mul3A_79 : f32 to vector<1x128xf32>
      %mul3A_81 = arith.mulf %dot_general3A_78, %mul3A_80 : vector<1x128xf32>
      %get3A_82 = arith.constant 0 : index
      %get3A_83 = arith.constant 0 : index
      %get3A_84 = vector.load %arg7[%get3A_82, %get3A_83] : memref<128x152xf32, #tpu.memory_space<vmem>>, vector<128x128xf32>
      %dot_general3A_85 = arith.constant dense<0.000000e+00> : vector<1x128xf32>
      %dot_general3A_86 = tpu.matmul %mul3A_81, %get3A_84, %dot_general3A_85 {dimension_numbers = #tpu.dot_dimension_numbers<[1], [1], [0], [0], [0, 0, 1, 0], [], []>, transpose_lhs_hint = false} : vector<1x128xf32>, vector<128x128xf32>, vector<1x128xf32> -> vector<1x128xf32>
      %get3A_87 = arith.constant 0 : index
      %get3A_88 = arith.constant 0 : index
      %get3A_89 = vector.load %arg8[%get3A_87, %get3A_88] : memref<1x128xf32, #tpu.memory_space<vmem>>, vector<1x128xf32>
      %add3A_90 = arith.addf %dot_general3A_86, %get3A_89 : vector<1x128xf32>
      %swap3A_91 = arith.constant 0 : index
      %swap3A_92 = arith.constant 0 : index
      %swap3A_93 = vector.load %arg15[%swap3A_91, %swap3A_92] : memref<1x128xf32, #tpu.memory_space<vmem>>, vector<1x128xf32>
      tpu.vector_store %arg15[%swap3A_91, %swap3A_92], %add3A_90 {strides = array<i32>} : memref<1x128xf32, #tpu.memory_space<vmem>>, vector<1x128xf32>,
    } else {
    }
    %get3A = arith.constant 0 : index
    %get3A_2 = arith.constant 0 : index
    %get3A_3 = vector.load %arg15[%get3A, %get3A_2] : memref<1x128xf32, #tpu.memory_space<vmem>>, vector<1x128xf32>
    %get3A_4 = arith.constant 0 : index
    %get3A_5 = arith.constant 0 : index
    %get3A_6 = vector.load %arg13[%get3A_4, %get3A_5] : memref<4096x24xf32, #tpu.memory_space<vmem>>, vector<4096x24xf32>
    %get3A_7 = arith.constant 0 : index
    %get3A_8 = arith.constant 128 : index
    %get3A_9 = vector.load %arg7[%get3A_7, %get3A_8] : memref<128x152xf32, #tpu.memory_space<vmem>>, vector<128x24xf32>
    %dot_general3A = arith.constant dense<0.000000e+00> : vector<4096x128xf32>
    %dot_general3A_10 = tpu.matmul %get3A_6, %get3A_9, %dot_general3A {dimension_numbers = #tpu.dot_dimension_numbers<[1], [1], [0], [0], [0, 0, 1, 0], [], []>, transpose_lhs_hint = false} : vector<4096x24xf32>, vector<128x24xf32>, vector<4096x128xf32> -> vector<4096x128xf32>
    %add3A = vector.broadcast %get3A_3 : vector<1x128xf32> to vector<4096x128xf32>
    %add3A_11 = arith.addf %add3A, %dot_general3A_10 : vector<4096x128xf32>
    %max3A = arith.constant 0.000000e+00 : f32
    %max3A_12 = vector.broadcast %max3A : f32 to vector<4096x128xf32>
    %max3A_13 = arith.maximumf %add3A_11, %max3A_12 : vector<4096x128xf32>
    %get3A_14 = arith.constant 0 : index
    %get3A_15 = arith.constant 0 : index
    %get3A_16 = vector.load %arg9[%get3A_14, %get3A_15] : memref<128x128xf32, #tpu.memory_space<vmem>>, vector<128x128xf32>
    %dot_general3A_17 = arith.constant dense<0.000000e+00> : vector<4096x128xf32>
    %dot_general3A_18 = tpu.matmul %max3A_13, %get3A_16, %dot_general3A_17 {dimension_numbers = #tpu.dot_dimension_numbers<[1], [1], [0], [0], [0, 0, 1, 0], [], []>, transpose_lhs_hint = false} : vector<4096x128xf32>, vector<128x128xf32>, vector<4096x128xf32> -> vector<4096x128xf32>
    %get3A_19 = arith.constant 0 : index
    %get3A_20 = arith.constant 0 : index
    %get3A_21 = vector.load %arg10[%get3A_19, %get3A_20] : memref<1x128xf32, #tpu.memory_space<vmem>>, vector<1x128xf32>
    %add3A_22 = vector.broadcast %get3A_21 : vector<1x128xf32> to vector<4096x128xf32>
    %add3A_23 = arith.addf %dot_general3A_18, %add3A_22 : vector<4096x128xf32>
    %max3A_24 = arith.constant 0.000000e+00 : f32
    %max3A_25 = vector.broadcast %max3A_24 : f32 to vector<4096x128xf32>
    %max3A_26 = arith.maximumf %add3A_23, %max3A_25 : vector<4096x128xf32>
    %get3A_27 = arith.constant 0 : index
    %get3A_28 = arith.constant 0 : index
    %get3A_29 = vector.load %arg11[%get3A_27, %get3A_28] : memref<1x128xf32, #tpu.memory_space<vmem>>, vector<1x128xf32>
    %mul3A = vector.broadcast %get3A_29 : vector<1x128xf32> to vector<4096x128xf32>
    %mul3A_30 = arith.mulf %max3A_26, %mul3A : vector<4096x128xf32>
    %reduce_sum3A = arith.constant dense<0.000000e+00> : vector<4096xf32>
    %reduce_sum3A_31 = vector.multi_reduction <add>, %mul3A_30, %reduce_sum3A [1] : vector<4096x128xf32> to vector<4096xf32>
    %broadcast_in_dim3A = vector.shape_cast %reduce_sum3A_31 : vector<4096xf32> to vector<4096x1xf32>
    %get3A_32 = arith.constant 0 : index
    %get3A_33 = arith.constant 0 : index
    %get3A_34 = memref.load %arg12[%get3A_32, %get3A_33] : memref<1x1xf32, #tpu.memory_space<smem>>
    %add3A_35 = vector.broadcast %get3A_34 : f32 to vector<4096x1xf32>
    %add3A_36 = arith.addf %broadcast_in_dim3A, %add3A_35 : vector<4096x1xf32>
    %swap3A = arith.constant 0 : index
    %swap3A_37 = arith.constant 0 : index
    %swap3A_38 = vector.load %arg14[%swap3A, %swap3A_37] : memref<4096x1xf32, #tpu.memory_space<vmem>>, vector<4096x1xf32>
    tpu.vector_store %arg14[%swap3A, %swap3A_37], %add3A_36 {strides = array<i32>} : memref<4096x1xf32, #tpu.memory_space<vmem>>, vector<4096x1xf32>,
    return
  }
  func.func @transform_0(%arg0: i32) -> (i32, i32) {
    %c0_i32 = arith.constant 0 : i32
    %c0_i32_0 = arith.constant 0 : i32
    %c0_i32_1 = arith.constant 0 : i32
    return %c0_i32, %c0_i32_0 : i32, i32
  }
  func.func @transform_1(%arg0: i32) -> (i32, i32) {
    %c0_i32 = arith.constant 0 : i32
    %c0_i32_0 = arith.constant 0 : i32
    %c0_i32_1 = arith.constant 0 : i32
    return %c0_i32, %c0_i32_0 : i32, i32
  }
  func.func @transform_2(%arg0: i32) -> (i32, i32) {
    %c0_i32 = arith.constant 0 : i32
    %c0_i32_0 = arith.constant 0 : i32
    %c0_i32_1 = arith.constant 0 : i32
    return %c0_i32, %c0_i32_0 : i32, i32
  }
  func.func @transform_3(%arg0: i32) -> (i32, i32) {
    %c0_i32 = arith.constant 0 : i32
    %c0_i32_0 = arith.constant 0 : i32
    %c0_i32_1 = arith.constant 0 : i32
    return %c0_i32, %c0_i32_0 : i32, i32
  }
  func.func @transform_4(%arg0: i32) -> (i32, i32) {
    %c0_i32 = arith.constant 0 : i32
    %c0_i32_0 = arith.constant 0 : i32
    %c0_i32_1 = arith.constant 0 : i32
    return %c0_i32, %c0_i32_0 : i32, i32
  }
  func.func @transform_5(%arg0: i32) -> (i32, i32) {
    %c0_i32 = arith.constant 0 : i32
    %c0_i32_0 = arith.constant 0 : i32
    %c0_i32_1 = arith.constant 0 : i32
    return %c0_i32, %c0_i32_0 : i32, i32
  }
  func.func @transform_6(%arg0: i32) -> (i32, i32) {
    %c0_i32 = arith.constant 0 : i32
    %c0_i32_0 = arith.constant 0 : i32
    %c0_i32_1 = arith.constant 0 : i32
    return %c0_i32, %c0_i32_0 : i32, i32
  }
  func.func @transform_7(%arg0: i32) -> (i32, i32) {
    %c0_i32 = arith.constant 0 : i32
    %c0_i32_0 = arith.constant 0 : i32
    %c0_i32_1 = arith.constant 0 : i32
    return %c0_i32, %c0_i32_0 : i32, i32
  }
  func.func @transform_8(%arg0: i32) -> (i32, i32) {
    %c0_i32 = arith.constant 0 : i32
    %c0_i32_0 = arith.constant 0 : i32
    %c0_i32_1 = arith.constant 0 : i32
    return %c0_i32, %c0_i32_0 : i32, i32
  }
  func.func @transform_9(%arg0: i32) -> (i32, i32) {
    %c0_i32 = arith.constant 0 : i32
    %c0_i32_0 = arith.constant 0 : i32
    %c0_i32_1 = arith.constant 0 : i32
    return %c0_i32, %c0_i32_0 : i32, i32
  }
  func.func @transform_10(%arg0: i32) -> (i32, i32) {
    %c0_i32 = arith.constant 0 : i32
    %c0_i32_0 = arith.constant 0 : i32
    %c0_i32_1 = arith.constant 0 : i32
    return %c0_i32, %c0_i32_0 : i32, i32
  }
  func.func @transform_11(%arg0: i32) -> (i32, i32) {
    %c0_i32 = arith.constant 0 : i32
    %c0_i32_0 = arith.constant 0 : i32
    %c0_i32_1 = arith.constant 0 : i32
    return %c0_i32, %c0_i32_0 : i32, i32
  }
  func.func @transform_12(%arg0: i32) -> (i32, i32) {
    %c0_i32 = arith.constant 0 : i32
    %c0_i32_0 = arith.constant 0 : i32
    return %arg0, %c0_i32 : i32, i32
  }
  func.func @transform_13(%arg0: i32) -> (i32, i32) {
    %c0_i32 = arith.constant 0 : i32
    %c0_i32_0 = arith.constant 0 : i32
    return %arg0, %c0_i32 : i32, i32
  }
}

</mosaic_0001>

<sc_bundles>
// kernel: kernel.4.cloned.1.call-start
scs
__scs_entry_jumppad:
0x0: {  	(pc) =	sbr.rel $0x88, $3  }
0x1: {  	(tag) =	ssettag $0x0;
	lr =	simm.s32 $0x1  }
0x2: {  	[smem:$0x3F94] =	sst lr;
	_ =	strace $0xD0000000  }
0x3: {  	_ = 	snop  }
0x4: {  	_ = 	snop  }
0x5: {  	_ = 	snop  }
0x6: {  	_ = 	snop  }
0x7: {  	_ = 	snop  }
__scs_overlays_trampoline_lowered:
0x8: {  	[smem:$0x3FA3] =	sst s0  }
0x9: {  	[smem:$0x3FA4] =	sst s1  }
0xa: {  	[smem:$0x3FA5] =	sst s2  }
0xb: {  	[smem:$0x3FA6] =	sst s3  }
0xc: {  	[smem:$0x3FA7] =	sst s4  }
0xd: {  	[smem:$0x3FA8] =	sst s5  }
0xe: {  	[smem:$0x3FA9] =	sst s6  }
0xf: {  	[smem:$0x3FAA] =	sst s7  }
0x10: {  	[smem:$0x3FAB] =	sst s8  }
0x11: {  	[smem:$0x3FAC] =	sst s9;
	s0 =	simm.s32 @!p0 $0x0  }
0x12: {  	s1 =	sld [smem:$0x3F92];
	s0 =	simm.s32 @p0 $0x1  }
0x13: {  	[smem:$0x3FAD] =	sst s0;
	s0 =	simm.s32 @!p1 $0x0  }
0x14: {  	s2 =	sld [smem:$0x3F91];
	s0 =	simm.s32 @p1 $0x1  }
0x15: {  	[smem:$0x3FAE] =	sst s0;
	s0 =	simm.s32 @!p2 $0x0  }
0x16: {  	s3 =	sld [smem:$0x3FDB];
	s0 =	simm.s32 @p2 $0x1  }
0x17: {  	s4 =	simm.s32 $0x1BF5;
	[smem:$0x3FB0] =	sst s0  }
0x18: {  	s0 =	sld [smem:$0x3F93];
	_ =	swait.ge [sflag:s4], $0x0  }
0x19: {  	s7 =	sld [smem:$0x3F94]  }
0x1a: {  	s8 =	sadd.s32 $0xFFFFE003, lr  }
0x1b: {  	s9 =	sadd.s32 $0xFFFFFEF7, lr;
	s5 =	simm.s32 $0xFFFFFFFF;
	p2 =	slt.u32 s8, $0xFFFFF086  }
0x1c: {  	p1 =	slt.u32 s9, $0xF7A;
	s5 =	simm.s32 @!p2 $0x0  }
0x1d: {  	s5 =	simm.s32 @p1 $0x1;
	p0 =	seq.s32 s7, s2  }
0x1e: {  	s7 =	smul.u32 @!p0 $0xF7A, s2;
	p2 =	seq.s32 @!p0 s5, $0x0  }
0x1f: {  	s9 =	smul.u32 $0xF7A, s1;
	s8 =	simm.s32 @!p0 $0x1BF5;
	p2 =	por !p2, p0  }
0x20: {  	[sflag:s8] =	ssyncset.s32 @!p0 $0xFFFFF086;
	s6 =	sadd.s32 @!p0 s3, s7;
	s7 =	simm.s32 @!p0 $0x108  }
0x21: {  	s3 =	sadd.s32 s3, s9;
	s6 =	sadd.s32 @!p0 $0x88, s6;
	s7 =	simm.s32 @p2 $0x1082  }
0x22: {  	[simem:s7], [sflag:s8] =	dma.local @!p0 [hbm:s6], $0xF7A  }
0x23: {  	s9 =	sor.u32 $0xD0000000, s2;
	s6 =	simm.s32 $0x108;
	_ =	swait.ge @!p0 [sflag:s8], $0x0  }
0x24: {  	s3 =	sadd.s32 $0x88, s3;
	s6 =	simm.s32 @!p1 $0x1082;
	[sflag:s4] =	ssyncset.s32 $0xFFFFF086  }
0x25: {  	[simem:s6], [sflag:s4] =	dma.local [hbm:s3], $0xF7A  }
0x26: {  	[smem:$0x3F94] =	sst s1;
	(tag) =	ssettag s2;
	_ =	strace s9  }
0x27: {  	s1 =	sld [smem:$0x3FA4]  }
0x28: {  	s2 =	sld [smem:$0x3FA5]  }
0x29: {  	s4 =	sld [smem:$0x3FA7]  }
0x2a: {  	p0 =	seq.s32 s5, $0x0;
	s5 =	sld [smem:$0x3FA8]  }
0x2b: {  	s6 =	sld [smem:$0x3FA9]  }
0x2c: {  	s7 =	sld [smem:$0x3FAA]  }
0x2d: {  	s3 =	simm.s32 $0x108;
	s8 =	sld [smem:$0x3FAB]  }
0x2e: {  	s3 =	simm.s32 @!p0 $0x1082;
	s9 =	sld [smem:$0x3FAC]  }
0x2f: {  	lr =	sadd.s32 s0, s3;
	s0 =	sld [smem:$0x3FA3]  }
0x30: {  	s3 =	sld [smem:$0x3FA6]  }
0x31: {  	[smem:$0x3FAF] =	sst s10  }
0x32: {  	s10 =	sld [smem:$0x3FAD];
	_ =	sdelay $0x3  }
0x33: {  	p0 =	seq.s32 s10, $0x1;
	s10 =	sld [smem:$0x3FAF];
	_ =	sdelay $0x3  }
0x34: {  	[smem:$0x3FAF] =	sst s10  }
0x35: {  	s10 =	sld [smem:$0x3FAE];
	_ =	sdelay $0x3  }
0x36: {  	p1 =	seq.s32 s10, $0x1;
	s10 =	sld [smem:$0x3FAF];
	_ =	sdelay $0x3  }
0x37: {  	[smem:$0x3FAF] =	sst s10  }
0x38: {  	s10 =	sld [smem:$0x3FB0]  }
0x39: {  	_ = 	snop;
	(pc) =	sbr.ind lr, $3  }
0x3a: {  	_ = 	snop  }
0x3b: {  	_ = 	snop  }
0x3c: {  	p2 =	seq.s32 s10, $0x1;
	s10 =	sld [smem:$0x3FAF]  }
0x3d: {  	_ =	shalt  }
0x3e: {  	_ =	shalt  }
0x3f: {  	_ =	shalt  }
0x40: {  	_ =	shalt  }
0x41: {  	_ =	shalt  }
0x42: {  	_ =	shalt  }
0x43: {  	_ =	shalt  }
0x44: {  	_ =	shalt  }
0x45: {  	_ =	shalt  }
0x46: {  	_ =	shalt  }
0x47: {  	_ =	shalt  }
0x48: {  	_ =	shalt  }
0x49: {  	_ =	shalt  }
0x4a: {  	_ =	shalt  }
0x4b: {  	_ =	shalt  }
0x4c: {  	_ =	shalt  }
0x4d: {  	_ =	shalt  }
0x4e: {  	_ =	shalt  }
0x4f: {  	_ =	shalt  }
0x50: {  	_ =	shalt  }
0x51: {  	_ =	shalt  }
0x52: {  	_ =	shalt  }
0x53: {  	_ =	shalt  }
0x54: {  	_ =	shalt  }
0x55: {  	_ =	shalt  }
0x56: {  	_ =	shalt  }
0x57: {  	_ =	shalt  }
0x58: {  	_ =	shalt  }
0x59: {  	_ =	shalt  }
0x5a: {  	_ =	shalt  }
0x5b: {  	_ =	shalt  }
0x5c: {  	_ =	shalt  }
0x5d: {  	_ =	shalt  }
0x5e: {  	_ =	shalt  }
0x5f: {  	_ =	shalt  }
0x60: {  	_ =	shalt  }
0x61: {  	_ =	shalt  }
0x62: {  	_ =	shalt  }
0x63: {  	_ =	shalt  }
0x64: {  	_ =	shalt  }
0x65: {  	_ =	shalt  }
0x66: {  	_ =	shalt  }
0x67: {  	_ =	shalt  }
0x68: {  	_ =	shalt  }
0x69: {  	_ =	shalt  }
0x6a: {  	_ =	shalt  }
0x6b: {  	_ =	shalt  }
0x6c: {  	_ =	shalt  }
0x6d: {  	_ =	shalt  }
0x6e: {  	_ =	shalt  }
0x6f: {  	_ =	shalt  }
0x70: {  	_ =	shalt  }
0x71: {  	_ =	shalt  }
0x72: {  	_ =	shalt  }
0x73: {  	_ =	shalt  }
0x74: {  	_ =	shalt  }
0x75: {  	_ =	shalt  }
0x76: {  	_ =	shalt  }
0x77: {  	_ =	shalt  }
0x78: {  	_ =	shalt  }
0x79: {  	_ =	shalt  }
0x7a: {  	_ =	shalt  }
0x7b: {  	_ =	shalt  }
0x7c: {  	_ =	shalt  }
0x7d: {  	_ =	shalt  }
0x7e: {  	_ =	shalt  }
0x7f: {  	_ =	shalt  }
0x80: {  	_ =	shalt  }
0x81: {  	_ =	shalt  }
0x82: {  	_ =	shalt  }
0x83: {  	_ =	shalt  }
0x84: {  	_ =	shalt  }
0x85: {  	_ =	shalt  }
0x86: {  	_ =	shalt  }
0x87: {  	_ =	shalt  }
.Lfunc_end0:
.L_simem_size_0:
called_computation_lowered:
.L_overlay_start_0:
0x88: {  	s0 =	sld [smem:$0x3FD9]  }
0x89: {  	s1 =	sld [smem:$0x3FFE];
	_ =	sdelay $0x3  }
0x8a: {  	s0 =	sadd.s32 s1, s0  }
0x8b: {  	[smem:$0x3FBB] =	sst s0  }
0x8c: {  	_ = 	snop  }
0x8d: {  	s0 =	sld [smem:$0x3FC8]  }
0x8e: {  	s17 =	sld [smem:$0x3FD0];
	(tm) =	ssettm $0x1  }
0x8f: {  	s2 =	sld [smem:$0x3FFB];
	_ =	sdelay $0x3  }
0x90: {  	_ =	strace s2  }
0x91: {  	s2 =	sld [smem:$0x3FFC];
	_ =	sdelay $0x3  }
0x92: {  	_ =	strace s2  }
0x93: {  	s2 =	sld [smem:$0x3FFD];
	_ =	sdelay $0x3  }
0x94: {  	_ =	strace s2  }
0x95: {  	_ =	strace $0x8FFFFFFF  }
0x96: {  	s18 =	sld [smem:$0x3FDB];
	_ =	sdelay $0x1  }
0x97: {  	s3 =	simm.s32 $_scs_section_size  }
0x98: {  	s4 =	simm.s32 $_size__tile_overlayer_lowered;
	s5 =	simm.s32 $_tile_overlayer_lowered  }
0x99: {  	s21 =	simm.s32 $0x1BFF;
	s20 =	sshll.u32 s5, $0x1;
	s2 =	sadd.s32 s3, s18  }
0x9a: {  	s6 =	simm.s32 $0x0;
	s19 =	sshll.u32 s4, $0x1;
	s4 =	sadd.s32 s20, s2  }
0x9b: {  	[timem:s6], [sflag:s21] =	dma.local [hbm:s4], s19  }
0x9c: {  	_ =	swait.ge [sflag:s21], s19  }
0x9d: {  	s3 =	ssub.s32 $0x0, s19;
	[sflag:s21] =	ssyncset.done $0x0  }
0x9e: {  	[sflag:s21] =	ssyncadd.s32 s3;
	_ =	sdelay $0x1  }
0x9f: {  	s22 =	simm.s32 $0x1B8B  }
0xa0: {  	_ =	swait.ge [sflag:s22], $0x1  }
0xa1: {  	[sflag:s22] =	ssyncset.done $0x0  }
0xa2: {  	s23 =	simm.s32 $0x1B8E;
	[sflag:s22] =	ssyncadd.s32 $0xFFFFFFFF  }
0xa3: {  	s24 =	simm.s32 $execute0_lowered;
	[smem:$0x3FD2] =	sst s23  }
0xa4: {  	s3 =	sshll.u32 s24, $0x1;
	_ =	strace $0x80000046;
	[dreg:$0x1] =	wrdreg $0xFFFFFFFF  }
0xa5: {  	s25 =	simm.s32 $_size_execute0_lowered;
	s2 =	sadd.s32 s2, s3;
	[dreg:$0x0] =	wrdreg $0x0  }
0xa6: {  	s3 =	sshll.u32 s25, $0x1;
	[dreg:$0x2] =	wrdreg s2  }
0xa7: {  	[dreg:$0x3] =	wrdreg s3  }
0xa8: {  	[dreg:$0x4] =	wrdreg $0xC0  }
0xa9: {  	_ =	task [dreg:s6], $0x5FFFF  }
0xaa: {  	[dreg:$0x1] =	wrdreg $0xFFFFFFFF  }
0xab: {  	[dreg:$0x0] =	wrdreg $0x60  }
0xac: {  	[dreg:$0x2] =	wrdreg s0  }
0xad: {  	[dreg:$0x3] =	wrdreg s17  }
0xae: {  	[dreg:$0x4] =	wrdreg $0x9  }
0xaf: {  	_ =	task.clear_ibuf [dreg:s6], $0x5FFFF;
	_ =	strace $0x90000046  }
0xb0: {  	s26 =	simm.s32 $0x9;
	_ =	strace $0x80000048  }
0xb1: {  	_ =	swait.ge [sflag:s26], $0x1  }
0xb2: {  	[sflag:s26] =	ssyncadd.s32 $0xFFFFFFFF  }
0xb3: {  	_ =	strace $0x90000048  }
0xb4: {  	_ =	sfence  }
0xb5: {  	s28 =	sld [smem:$0x0];
	_ =	sdelay $0x1  }
0xb6: {  	s29 =	srdreg.scid  }
0xb7: {  	s30 =	sshll.u32 s29, $0xD;
	s31 =	sshrl.u32 s29, $0x2  }
0xb8: {  	s1 =	sand.u32 $0x1, s29;
	s2 =	sand.u32 $0x4000, s30;
	s0 =	sadd.s32 s31, s28  }
0xb9: {  	s1 =	sor.u32 s2, s1;
	s0 =	sshll.u32 s0, $0x11  }
0xba: {  	s0 =	sor.u32 s0, s1  }
0xbb: {  	s0 =	sadd.s32 $0x8F2B, s0  }
0xbc: {  	[sflag:s0] =	ssyncadd.remote.s32 $0x1  }
0xbd: {  	_ =	sfence.sel $0xFFFF  }
0xbe: {  	[dreg:$0x0] =	wrdreg $0xFFFFFFFF;
	(pc) =	sbr.abs _section_cstart, $3  }
0xbf: {  	[dreg:$0x1] =	wrdreg $0xFFFFFFFF  }
0xc0: {  	_ =	task.clear_ibuf [dreg:s6], $0x2FFFF;
	_ =	strace $0x9FFFFFFF  }
0xc1: {  	(tm) =	ssettm $0x7FFFFFFF  }
tec
execute0_lowered:
.L_overlay_start_1:
0x0: {  	(tag) =	ssettag $0x1  }
0x1: {  	s3 =	rddreg [dreg:$0x0]  }
0x2: {  	s2 =	rddreg [dreg:$0x1]  }
0x3: {  	s0 =	rddreg [dreg:$0x2];
	s4 =	simm.s32 $0x0;
	s1 =	stileid.u32  }
0x4: {  	[smem:$0x7FF] =	sst s4;
	p0 =	seq.s32 s1, $0xF  }
0x5: {  	_ =	strace $0x80000047;
	s4 =	sadd.s32 @p0 $0x2DF0, s3;
	s5 =	simm.s32 @p0 $0x0  }
0x6: {  	[tilespmem:s5], [sflag:$0x1] =	stream.linear.gather @p0 [hbm4b:s4+s5], $0x1720, $0x38;
	[tilespmem:$0x2100] =	vst v63  }
0x7: {  	s4 =	simm.s32 @p0 $0x1  }
0x8: {  	s5 =	smul.u32 @!p0 $0x310, s1;
	_ =	swait.ge @p0 [sflag:s4], $0x1720  }
0x9: {  	[sflag:s4] =	ssyncset.done @p0 $0x0  }
0xa: {  	s3 =	sadd.s32 @!p0 s3, s5;
	[sflag:s4] =	ssyncadd.s32 @p0 $0xFFFFE8E0;
	s4 =	simm.s32 @!p0 $0x0  }
0xb: {  	[tilespmem:s4], [sflag:$0x1] =	stream.linear.gather @!p0 [hbm4b:s3+s4], $0x1880, $0x38;
	[tilespmem:$0x2100] =	vst v63  }
0xc: {  	s3 =	simm.s32 @!p0 $0x1  }
0xd: {  	_ =	swait.ge @!p0 [sflag:s3], $0x1880  }
0xe: {  	[sflag:s3] =	ssyncset.done @!p0 $0x0  }
0xf: {  	v0 =	vimm.f32 $0.0e+00;
	[sflag:s3] =	ssyncadd.s32 @!p0 $0xFFFFE780  }
0x10: {  	[tilespmem:$0x1880] =	vst v0  }
0x11: {  	[tilespmem:$0x1890] =	vst v0  }
0x12: {  	[tilespmem:$0x18A0] =	vst v0  }
0x13: {  	[tilespmem:$0x18B0] =	vst v0  }
0x14: {  	[tilespmem:$0x18C0] =	vst v0  }
0x15: {  	[tilespmem:$0x18D0] =	vst v0  }
0x16: {  	[tilespmem:$0x18E0] =	vst v0  }
0x17: {  	[tilespmem:$0x18F0] =	vst v0  }
0x18: {  	[tilespmem:$0x1900] =	vst v0  }
0x19: {  	[tilespmem:$0x1910] =	vst v0  }
0x1a: {  	[tilespmem:$0x1920] =	vst v0  }
0x1b: {  	[tilespmem:$0x1930] =	vst v0  }
0x1c: {  	[tilespmem:$0x1940] =	vst v0  }
0x1d: {  	[tilespmem:$0x1950] =	vst v0  }
0x1e: {  	[tilespmem:$0x1960] =	vst v0  }
0x1f: {  	[tilespmem:$0x1970] =	vst v0  }
0x20: {  	[tilespmem:$0x1980] =	vst v0  }
0x21: {  	[tilespmem:$0x1990] =	vst v0  }
0x22: {  	[tilespmem:$0x19A0] =	vst v0  }
0x23: {  	[tilespmem:$0x19B0] =	vst v0  }
0x24: {  	[tilespmem:$0x19C0] =	vst v0  }
0x25: {  	[tilespmem:$0x19D0] =	vst v0  }
0x26: {  	[tilespmem:$0x19E0] =	vst v0  }
0x27: {  	[tilespmem:$0x19F0] =	vst v0  }
0x28: {  	[tilespmem:$0x1A00] =	vst v0  }
0x29: {  	[tilespmem:$0x1A10] =	vst v0  }
0x2a: {  	[tilespmem:$0x1A20] =	vst v0  }
0x2b: {  	[tilespmem:$0x1A30] =	vst v0  }
0x2c: {  	[tilespmem:$0x1A40] =	vst v0  }
0x2d: {  	[tilespmem:$0x1A50] =	vst v0  }
0x2e: {  	[tilespmem:$0x1A60] =	vst v0  }
0x2f: {  	[tilespmem:$0x1A70] =	vst v0  }
0x30: {  	[tilespmem:$0x1A80] =	vst v0  }
0x31: {  	[tilespmem:$0x1A90] =	vst v0  }
0x32: {  	[tilespmem:$0x1AA0] =	vst v0  }
0x33: {  	[tilespmem:$0x1AB0] =	vst v0  }
0x34: {  	[tilespmem:$0x1AC0] =	vst v0  }
0x35: {  	[tilespmem:$0x1AD0] =	vst v0  }
0x36: {  	[tilespmem:$0x1AE0] =	vst v0  }
0x37: {  	[tilespmem:$0x1AF0] =	vst v0  }
0x38: {  	[tilespmem:$0x1B00] =	vst v0  }
0x39: {  	[tilespmem:$0x1B10] =	vst v0  }
0x3a: {  	[tilespmem:$0x1B20] =	vst v0  }
0x3b: {  	[tilespmem:$0x1B30] =	vst v0  }
0x3c: {  	[tilespmem:$0x1B40] =	vst v0  }
0x3d: {  	[tilespmem:$0x1B50] =	vst v0  }
0x3e: {  	[tilespmem:$0x1B60] =	vst v0  }
0x3f: {  	[tilespmem:$0x1B70] =	vst v0  }
0x40: {  	[tilespmem:$0x1B80] =	vst v0  }
0x41: {  	[tilespmem:$0x1B90] =	vst v0  }
0x42: {  	[tilespmem:$0x1BA0] =	vst v0  }
0x43: {  	[tilespmem:$0x1BB0] =	vst v0  }
0x44: {  	[tilespmem:$0x1BC0] =	vst v0  }
0x45: {  	[tilespmem:$0x1BD0] =	vst v0  }
0x46: {  	[tilespmem:$0x1BE0] =	vst v0  }
0x47: {  	[tilespmem:$0x1BF0] =	vst v0  }
0x48: {  	[tilespmem:$0x1C00] =	vst v0  }
0x49: {  	[tilespmem:$0x1C10] =	vst v0  }
0x4a: {  	[tilespmem:$0x1C20] =	vst v0  }
0x4b: {  	[tilespmem:$0x1C30] =	vst v0  }
0x4c: {  	[tilespmem:$0x1C40] =	vst v0  }
0x4d: {  	[tilespmem:$0x1C50] =	vst v0  }
0x4e: {  	[tilespmem:$0x1C60] =	vst v0  }
0x4f: {  	[tilespmem:$0x1C70] =	vst v0  }
0x50: {  	[tilespmem:$0x1C80] =	vst v0  }
0x51: {  	[tilespmem:$0x1C90] =	vst v0  }
0x52: {  	[tilespmem:$0x1CA0] =	vst v0  }
0x53: {  	[tilespmem:$0x1CB0] =	vst v0  }
0x54: {  	[tilespmem:$0x1CC0] =	vst v0  }
0x55: {  	[tilespmem:$0x1CD0] =	vst v0  }
0x56: {  	[tilespmem:$0x1CE0] =	vst v0  }
0x57: {  	[tilespmem:$0x1CF0] =	vst v0  }
0x58: {  	[tilespmem:$0x1D00] =	vst v0  }
0x59: {  	[tilespmem:$0x1D10] =	vst v0  }
0x5a: {  	[tilespmem:$0x1D20] =	vst v0  }
0x5b: {  	[tilespmem:$0x1D30] =	vst v0  }
0x5c: {  	[tilespmem:$0x1D40] =	vst v0  }
0x5d: {  	[tilespmem:$0x1D50] =	vst v0  }
0x5e: {  	[tilespmem:$0x1D60] =	vst v0  }
0x5f: {  	[tilespmem:$0x1D70] =	vst v0  }
0x60: {  	[tilespmem:$0x1D80] =	vst v0  }
0x61: {  	[tilespmem:$0x1D90] =	vst v0  }
0x62: {  	[tilespmem:$0x1DA0] =	vst v0  }
0x63: {  	[tilespmem:$0x1DB0] =	vst v0  }
0x64: {  	[tilespmem:$0x1DC0] =	vst v0  }
0x65: {  	[tilespmem:$0x1DD0] =	vst v0  }
0x66: {  	[tilespmem:$0x1DE0] =	vst v0  }
0x67: {  	[tilespmem:$0x1DF0] =	vst v0  }
0x68: {  	[tilespmem:$0x1E00] =	vst v0  }
0x69: {  	[tilespmem:$0x1E10] =	vst v0  }
0x6a: {  	[tilespmem:$0x1E20] =	vst v0  }
0x6b: {  	[tilespmem:$0x1E30] =	vst v0  }
0x6c: {  	[tilespmem:$0x1E40] =	vst v0  }
0x6d: {  	[tilespmem:$0x1E50] =	vst v0  }
0x6e: {  	[tilespmem:$0x1E60] =	vst v0  }
0x6f: {  	[tilespmem:$0x1E70] =	vst v0  }
0x70: {  	[tilespmem:$0x1E80] =	vst v0  }
0x71: {  	[tilespmem:$0x1E90] =	vst v0  }
0x72: {  	[tilespmem:$0x1EA0] =	vst v0  }
0x73: {  	[tilespmem:$0x1EB0] =	vst v0  }
0x74: {  	[tilespmem:$0x1EC0] =	vst v0  }
0x75: {  	[tilespmem:$0x1ED0] =	vst v0  }
0x76: {  	[tilespmem:$0x1EE0] =	vst v0  }
0x77: {  	[tilespmem:$0x1EF0] =	vst v0  }
0x78: {  	[tilespmem:$0x1F00] =	vst v0  }
0x79: {  	[tilespmem:$0x1F10] =	vst v0  }
0x7a: {  	[tilespmem:$0x1F20] =	vst v0  }
0x7b: {  	[tilespmem:$0x1F30] =	vst v0  }
0x7c: {  	[tilespmem:$0x1F40] =	vst v0  }
0x7d: {  	[tilespmem:$0x1F50] =	vst v0  }
0x7e: {  	[tilespmem:$0x1F60] =	vst v0  }
0x7f: {  	[tilespmem:$0x1F70] =	vst v0  }
0x80: {  	[tilespmem:$0x1F80] =	vst v0  }
0x81: {  	[tilespmem:$0x1F90] =	vst v0  }
0x82: {  	[tilespmem:$0x1FA0] =	vst v0  }
0x83: {  	[tilespmem:$0x1FB0] =	vst v0  }
0x84: {  	[tilespmem:$0x1FC0] =	vst v0  }
0x85: {  	[tilespmem:$0x1FD0] =	vst v0  }
0x86: {  	[tilespmem:$0x1FE0] =	vst v0  }
0x87: {  	[tilespmem:$0x1FF0] =	vst v0  }
0x88: {  	[tilespmem:$0x2000] =	vst v0  }
0x89: {  	[tilespmem:$0x2010] =	vst v0  }
0x8a: {  	[tilespmem:$0x2020] =	vst v0  }
0x8b: {  	[tilespmem:$0x2030] =	vst v0  }
0x8c: {  	[tilespmem:$0x2040] =	vst v0  }
0x8d: {  	s31 =	sshll.u32 s1, $0x4;
	[tilespmem:$0x2050] =	vst v0  }
0x8e: {  	v1 =	vlaneseq.u32;
	s2 =	sadd.s32 s2, s31;
	s3 =	simm.s32 @!p0 $0x62;
	[tilespmem:$0x2060] =	vst v0  }
0x8f: {  	s5 =	simm.s32 $0x1880;
	s4 =	simm.s32 $0x20;
	s3 =	simm.s32 @p0 $0x5C;
	[tilespmem:$0x2070] =	vst v0;
	v0 =	vmul.u32 $0x80, v1;
	v1 =	vimm.f32 $1.000000000e+00  }
.LBB2_1:
0x90: {  	v2 =	vld [tilespmem:s4+$0xFFFFFFE0];
	_ =	sdelay $0x4  }
0x91: {  	v2 =	vadd.s32 v0, v2;
	_ =	sdelay $0x4  }
0x92: {  	[tilespmem:v2+s5+$0x0] =	vst.idx.add.f32.msk $0xffff, v1  }
0x93: {  	v2 =	vld [tilespmem:s4+$0xFFFFFFF0];
	_ =	sdelay $0x4  }
0x94: {  	v2 =	vadd.s32 v0, v2;
	_ =	sdelay $0x4  }
0x95: {  	[tilespmem:v2+s5+$0x0] =	vst.idx.add.f32.msk $0xffff, v1  }
0x96: {  	v2 =	vld [tilespmem:s4+$0x0];
	_ =	sdelay $0x4  }
0x97: {  	v2 =	vadd.s32 v0, v2;
	_ =	sdelay $0x4  }
0x98: {  	[tilespmem:v2+s5+$0x0] =	vst.idx.add.f32.msk $0xffff, v1  }
0x99: {  	v2 =	vld [tilespmem:s4+$0x10];
	_ =	sdelay $0x4  }
0x9a: {  	p0 =	sne.s32 s3, $0x1;
	v2 =	vadd.s32 v0, v2  }
.Ltmp0:
0x9b: {  	_ = 	snop;
	(pc) =	sbr.rel @p0 .LBB2_1-.Ltmp0, $2  }
0x9c: {  	_ =	sdelay $0x2  }
0x9d: {  	s3 =	sadd.s32 $0xFFFFFFFF, s3;
	s4 =	sadd.s32 $0x40, s4;
	[tilespmem:v2+s5+$0x0] =	vst.idx.add.f32.msk $0xffff, v1  }
0x9e: {  	p0 =	sne.s32 s1, $0xF  }
0x9f: {  	v0 =	vld @!p0 [tilespmem:$0x1700];
	_ =	sdelay $0x1  }
0xa0: {  	v1 =	vlaneseq.u32 @!p0  }
0xa1: {  	v1 =	vmul.u32 @!p0 $0x80, v1;
	_ =	sdelay $0x1  }
0xa2: {  	v0 =	vadd.s32 @!p0 v1, v0;
	_ =	sdelay $0x3  }
0xa3: {  	v2 =	vimm.f32 @!p0 $1.000000000e+00;
	s3 =	simm.s32 @!p0 $0x1880  }
0xa4: {  	[tilespmem:v0+s3+$0x0] =	vst.idx.add.f32.msk @!p0 $0xffff, v2  }
0xa5: {  	v0 =	vld @!p0 [tilespmem:$0x1710];
	_ =	sdelay $0x4  }
0xa6: {  	v0 =	vadd.s32 @!p0 v1, v0;
	_ =	sdelay $0x4  }
0xa7: {  	[tilespmem:v0+s3+$0x0] =	vst.idx.add.f32.msk @!p0 $0xffff, v2  }
0xa8: {  	v0 =	vld [tilespmem:$0x1880]  }
0xa9: {  	v1 =	vld [tilespmem:$0x1900]  }
0xaa: {  	v2 =	vld [tilespmem:$0x1980]  }
0xab: {  	v3 =	vld [tilespmem:$0x1A00]  }
0xac: {  	v9 =	vld [tilespmem:$0x1A80]  }
0xad: {  	v10 =	vld [tilespmem:$0x1B00]  }
0xae: {  	v11 =	vld [tilespmem:$0x1B80]  }
0xaf: {  	v12 =	vld [tilespmem:$0x1C00]  }
0xb0: {  	v14 =	vld [tilespmem:$0x1C80]  }
0xb1: {  	v16 =	vld [tilespmem:$0x1D00]  }
0xb2: {  	v18 =	vld [tilespmem:$0x1D80]  }
0xb3: {  	v4 =	vld [tilespmem:$0x1E00]  }
0xb4: {  	v44 =	vld [tilespmem:$0x1E80]  }
0xb5: {  	v45 =	vld [tilespmem:$0x1F00]  }
0xb6: {  	v46 =	vld [tilespmem:$0x1F80]  }
0xb7: {  	v47 =	vld [tilespmem:$0x2000]  }
0xb8: {  	v5 =	vld [tilespmem:$0x1890]  }
0xb9: {  	v7 =	vld [tilespmem:$0x1910]  }
0xba: {  	v19 =	vld [tilespmem:$0x1990]  }
0xbb: {  	v20 =	vld [tilespmem:$0x1A10]  }
0xbc: {  	v21 =	vld [tilespmem:$0x1A90]  }
0xbd: {  	v22 =	vld [tilespmem:$0x1B10]  }
0xbe: {  	v23 =	vld [tilespmem:$0x1B90]  }
0xbf: {  	v24 =	vld [tilespmem:$0x1C10]  }
0xc0: {  	v25 =	vld [tilespmem:$0x1C90]  }
0xc1: {  	v26 =	vld [tilespmem:$0x1D10]  }
0xc2: {  	v27 =	vld [tilespmem:$0x1D90]  }
0xc3: {  	v28 =	vld [tilespmem:$0x1E10]  }
0xc4: {  	v29 =	vld [tilespmem:$0x1E90]  }
0xc5: {  	v31 =	vld [tilespmem:$0x1F10]  }
0xc6: {  	v48 =	vld [tilespmem:$0x1F90]  }
0xc7: {  	v49 =	vld [tilespmem:$0x2010]  }
0xc8: {  	v8 =	vld [tilespmem:$0x18A0]  }
0xc9: {  	v33 =	vld [tilespmem:$0x1920]  }
0xca: {  	v34 =	vld [tilespmem:$0x19A0]  }
0xcb: {  	v35 =	vld [tilespmem:$0x1A20]  }
0xcc: {  	v36 =	vld [tilespmem:$0x1AA0]  }
0xcd: {  	v37 =	vld [tilespmem:$0x1B20]  }
0xce: {  	v38 =	vld [tilespmem:$0x1BA0]  }
0xcf: {  	v39 =	vld [tilespmem:$0x1C20]  }
0xd0: {  	v40 =	vld [tilespmem:$0x1CA0]  }
0xd1: {  	v41 =	vld [tilespmem:$0x1D20]  }
0xd2: {  	v42 =	vld [tilespmem:$0x1DA0]  }
0xd3: {  	v43 =	vld [tilespmem:$0x1E20]  }
0xd4: {  	v50 =	vld [tilespmem:$0x19B0]  }
0xd5: {  	v51 =	vld [tilespmem:$0x1A30]  }
0xd6: {  	v52 =	vld [tilespmem:$0x1AB0]  }
0xd7: {  	v53 =	vld [tilespmem:$0x1B30]  }
0xd8: {  	v54 =	vld [tilespmem:$0x1BB0]  }
0xd9: {  	v55 =	vld [tilespmem:$0x1C30]  }
0xda: {  	v56 =	vld [tilespmem:$0x1CB0]  }
0xdb: {  	v57 =	vld [tilespmem:$0x1D30]  }
0xdc: {  	v58 =	vld [tilespmem:$0x1DB0]  }
0xdd: {  	v59 =	vld [tilespmem:$0x1E30]  }
0xde: {  	v60 =	vld [tilespmem:$0x1EB0]  }
0xdf: {  	v61 =	vld [tilespmem:$0x1F30]  }
0xe0: {  	v62 =	vld [tilespmem:$0x1FB0]  }
0xe1: {  	v63 =	vld [tilespmem:$0x2030]  }
0xe2: {  	v6 =	vld [tilespmem:$0x18C0]  }
0xe3: {  	v13 =	vld [tilespmem:$0x19C0]  }
0xe4: {  	v15 =	vld [tilespmem:$0x1A40]  }
0xe5: {  	v17 =	vld [tilespmem:$0x1AC0]  }
0xe6: {  	v30 =	vld [tilespmem:$0x1B40]  }
0xe7: {  	v32 =	vld [tilespmem:$0x1BC0]  }
0xe8: {  	[tilespmem:$0x1FF90] =	vst v44;
	v44 =	vld [tilespmem:$0x1EA0]  }
0xe9: {  	[tilespmem:$0x1FFA0] =	vst v45;
	v45 =	vld [tilespmem:$0x1F20]  }
0xea: {  	[tilespmem:$0x1FFB0] =	vst v46;
	v46 =	vld [tilespmem:$0x1FA0]  }
0xeb: {  	[tilespmem:$0x1FFD0] =	vst v47;
	v47 =	vld [tilespmem:$0x2020]  }
0xec: {  	[tilespmem:$0x1FFC0] =	vst v48;
	v48 =	vld [tilespmem:$0x18B0]  }
0xed: {  	[tilespmem:$0x1FFE0] =	vst v49;
	v49 =	vld [tilespmem:$0x1930]  }
0xee: {  	[tilespmem:$0x1FF80] =	vst v4;
	v4 =	vld [tilespmem:$0x1940]  }
0xef: {  	v0 =	vadd.f32 v1, v0;
	v1 =	vld [tilespmem:$0x1C40]  }
0xf0: {  	v5 =	vadd.f32 v7, v5;
	v7 =	vld [tilespmem:$0x1CC0]  }
0xf1: {  	[tilespmem:$0x1FFF0] =	vst v32;
	v32 =	vld [tilespmem:$0x1E50]  }
0xf2: {  	v0 =	vadd.f32 v2, v0;
	v2 =	vadd.f32 v33, v8;
	v8 =	vld [tilespmem:$0x1D40]  }
0xf3: {  	v33 =	vadd.f32 v19, v5;
	v19 =	vld [tilespmem:$0x1DC0]  }
0xf4: {  	v5 =	vld [tilespmem:$0x1E40]  }
0xf5: {  	v0 =	vadd.f32 v3, v0;
	v3 =	vld [tilespmem:$0x1EC0]  }
0xf6: {  	v2 =	vadd.f32 v34, v2;
	v20 =	vadd.f32 v20, v33;
	v33 =	vld [tilespmem:$0x1950]  }
0xf7: {  	v48 =	vadd.f32 v49, v48;
	v49 =	vld [tilespmem:$0x1FFC0]  }
0xf8: {  	v34 =	vadd.f32 v35, v2;
	v2 =	vld [tilespmem:$0x1F40]  }
0xf9: {  	v0 =	vadd.f32 v9, v0;
	v9 =	vld [tilespmem:$0x1FC0]  }
0xfa: {  	v35 =	vld [tilespmem:$0x2050]  }
0xfb: {  	v20 =	vadd.f32 v21, v20;
	v50 =	vadd.f32 v50, v48;
	v48 =	vld [tilespmem:$0x1960]  }
0xfc: {  	v10 =	vadd.f32 v10, v0;
	v0 =	vld [tilespmem:$0x2040]  }
0xfd: {  	v4 =	vadd.f32 v4, v6;
	v20 =	vadd.f32 v22, v20;
	v22 =	vld [tilespmem:$0x18D0]  }
0xfe: {  	v36 =	vadd.f32 v36, v34;
	v34 =	vld [tilespmem:$0x1F50]  }
0xff: {  	v4 =	vadd.f32 v13, v4;
	v51 =	vadd.f32 v51, v50;
	v50 =	vld [tilespmem:$0x18F0]  }
0x100: {  	v20 =	vadd.f32 v23, v20;
	v23 =	vld [tilespmem:$0x19D0]  }
0x101: {  	v4 =	vadd.f32 v15, v4;
	v37 =	vadd.f32 v37, v36;
	v36 =	vld [tilespmem:$0x1BF0]  }
0x102: {  	v10 =	vadd.f32 v11, v10;
	v21 =	vadd.f32 v52, v51;
	v51 =	vld [tilespmem:$0x1FFD0]  }
0x103: {  	v52 =	vld [tilespmem:$0x1970]  }
0x104: {  	v4 =	vadd.f32 v17, v4;
	v10 =	vadd.f32 v12, v10;
	v12 =	vld [tilespmem:$0x1A50]  }
0x105: {  	v11 =	vadd.f32 v38, v37;
	v20 =	vadd.f32 v24, v20;
	v24 =	vld [tilespmem:$0x1AD0]  }
0x106: {  	v37 =	vld [tilespmem:$0x1C60];
	v21 =	vadd.f32 v53, v21;
	v22 =	vadd.f32 v33, v22  }
0x107: {  	v38 =	vld [tilespmem:$0x1FFF0];
	v4 =	vadd.f32 v30, v4;
	v10 =	vadd.f32 v14, v10  }
0x108: {  	v53 =	vld [tilespmem:$0x1FFE0];
	v11 =	vadd.f32 v39, v11;
	v20 =	vadd.f32 v25, v20  }
0x109: {  	v33 =	vld [tilespmem:$0x1BE0];
	v21 =	vadd.f32 v54, v21;
	v22 =	vadd.f32 v23, v22  }
0x10a: {  	v14 =	vld [tilespmem:$0x1B50];
	v10 =	vadd.f32 v16, v10;
	v11 =	vadd.f32 v40, v11  }
0x10b: {  	v25 =	vld [tilespmem:$0x1BD0];
	v20 =	vadd.f32 v26, v20;
	v21 =	vadd.f32 v55, v21  }
0x10c: {  	v39 =	vld [tilespmem:$0x1C70];
	v12 =	vadd.f32 v12, v22;
	v4 =	vadd.f32 v38, v4  }
0x10d: {  	v40 =	vld [tilespmem:$0x1FF80];
	v10 =	vadd.f32 v18, v10;
	v21 =	vadd.f32 v56, v21  }
0x10e: {  	v54 =	vld [tilespmem:$0x19E0];
	v11 =	vadd.f32 v41, v11;
	v20 =	vadd.f32 v27, v20  }
0x10f: {  	v16 =	vld [tilespmem:$0x1C50];
	v12 =	vadd.f32 v24, v12;
	v21 =	vadd.f32 v57, v21  }
0x110: {  	v41 =	vld [tilespmem:$0x1FF90];
	v1 =	vadd.f32 v1, v4;
	v11 =	vadd.f32 v42, v11  }
0x111: {  	v26 =	vld [tilespmem:$0x1CD0];
	v20 =	vadd.f32 v28, v20;
	v21 =	vadd.f32 v58, v21  }
0x112: {  	v10 =	vadd.f32 v40, v10;
	v11 =	vadd.f32 v43, v11;
	v43 =	vld [tilespmem:$0x18E0]  }
0x113: {  	v55 =	vld [tilespmem:$0x19F0];
	v12 =	vadd.f32 v14, v12;
	v21 =	vadd.f32 v59, v21  }
0x114: {  	v18 =	vld [tilespmem:$0x1D50];
	v1 =	vadd.f32 v7, v1;
	v20 =	vadd.f32 v29, v20  }
0x115: {  	v56 =	vld [tilespmem:$0x1A60];
	v10 =	vadd.f32 v41, v10;
	v21 =	vadd.f32 v60, v21  }
0x116: {  	v42 =	vld [tilespmem:$0x1FFA0];
	v12 =	vadd.f32 v25, v12;
	v1 =	vadd.f32 v8, v1  }
0x117: {  	v58 =	vld [tilespmem:$0x1A70];
	v57 =	vadd.f32 v48, v43;
	v21 =	vadd.f32 v61, v21  }
0x118: {  	v11 =	vadd.f32 v44, v11;
	v59 =	vadd.f32 v52, v50;
	v60 =	vld [tilespmem:$0x1AE0]  }
0x119: {  	v13 =	vadd.f32 v54, v57;
	v61 =	vld [tilespmem:$0x1AF0];
	v21 =	vadd.f32 v62, v21  }
0x11a: {  	v20 =	vadd.f32 v31, v20;
	v6 =	vadd.f32 v55, v59;
	v62 =	vld [tilespmem:$0x1B60]  }
0x11b: {  	v13 =	vadd.f32 v56, v13;
	v21 =	vadd.f32 v63, v21;
	v63 =	vld [tilespmem:$0x1B70]  }
0x11c: {  	v27 =	vld [tilespmem:$0x1DD0];
	v10 =	vadd.f32 v42, v10;
	v6 =	vadd.f32 v58, v6  }
0x11d: {  	v28 =	vld [tilespmem:$0x1ED0];
	v12 =	vadd.f32 v16, v12;
	v13 =	vadd.f32 v60, v13  }
0x11e: {  	v44 =	vld [tilespmem:$0x1FFB0];
	v1 =	vadd.f32 v19, v1;
	v6 =	vadd.f32 v61, v6  }
0x11f: {  	v40 =	vld [tilespmem:$0x1CE0];
	v11 =	vadd.f32 v45, v11;
	v13 =	vadd.f32 v62, v13  }
0x120: {  	v29 =	vld [tilespmem:$0x1FD0];
	v20 =	vadd.f32 v49, v20;
	v6 =	vadd.f32 v63, v6  }
0x121: {  	v42 =	vld [tilespmem:$0x1CF0];
	v12 =	vadd.f32 v26, v12;
	v41 =	vadd.f32 v33, v13  }
0x122: {  	v43 =	vld [tilespmem:$0x1D60];
	v1 =	vadd.f32 v5, v1;
	v6 =	vadd.f32 v36, v6  }
0x123: {  	v10 =	vadd.f32 v44, v10;
	v44 =	vld [tilespmem:$0x1D70];
	v4 =	vadd.f32 v37, v41  }
0x124: {  	v45 =	vld [tilespmem:$0x1DE0];
	v11 =	vadd.f32 v46, v11;
	v6 =	vadd.f32 v39, v6  }
0x125: {  	v46 =	vld [tilespmem:$0x1DF0];
	v12 =	vadd.f32 v18, v12;
	v4 =	vadd.f32 v40, v4  }
0x126: {  	v11 =	vadd.f32 v47, v11;
	v47 =	vld [tilespmem:$0x1E60];
	v6 =	vadd.f32 v42, v6  }
0x127: {  	v48 =	vld [tilespmem:$0x1E70];
	v20 =	vadd.f32 v53, v20;
	v4 =	vadd.f32 v43, v4  }
0x128: {  	v49 =	vld [tilespmem:$0x1EE0];
	v12 =	vadd.f32 v27, v12;
	v6 =	vadd.f32 v44, v6  }
0x129: {  	v50 =	vld [tilespmem:$0x1EF0];
	v10 =	vadd.f32 v51, v10;
	v4 =	vadd.f32 v45, v4  }
0x12a: {  	v51 =	vld [tilespmem:$0x1F60];
	v12 =	vadd.f32 v32, v12;
	v6 =	vadd.f32 v46, v6  }
0x12b: {  	v53 =	vld [tilespmem:$0x1F70];
	v1 =	vadd.f32 v3, v1;
	v52 =	vadd.f32 v47, v4  }
0x12c: {  	v54 =	vld [tilespmem:$0x1FE0];
	v12 =	vadd.f32 v28, v12;
	v6 =	vadd.f32 v48, v6  }
0x12d: {  	v1 =	vadd.f32 v2, v1;
	v56 =	vld [tilespmem:$0x1FF0];
	v55 =	vadd.f32 v49, v52  }
0x12e: {  	v58 =	vld [tilespmem:$0x2060];
	v57 =	vadd.f32 v34, v12;
	v5 =	vadd.f32 v50, v6  }
0x12f: {  	v59 =	vld [tilespmem:$0x2070];
	[tilespmem:$0x2090] =	vst v20;
	v1 =	vadd.f32 v9, v1;
	v2 =	vadd.f32 v51, v55  }
0x130: {  	[tilespmem:$0x20A0] =	vst v11;
	v7 =	vadd.f32 v29, v57;
	v4 =	vadd.f32 v53, v5  }
0x131: {  	[tilespmem:$0x2080] =	vst v10;
	v0 =	vadd.f32 v0, v1;
	v60 =	vadd.f32 v54, v2  }
0x132: {  	[tilespmem:$0x20B0] =	vst v21;
	v61 =	vadd.f32 v35, v7;
	v3 =	vadd.f32 v56, v4  }
0x133: {  	[tilespmem:$0x20C0] =	vst v0;
	v62 =	vadd.f32 v58, v60  }
0x134: {  	[tilespmem:$0x20D0] =	vst v61;
	v63 =	vadd.f32 v59, v3  }
0x135: {  	[tilespmem:$0x20E0] =	vst v62  }
0x136: {  	s30 =	simm.s32 $0x0;
	s4 =	simm.s32 $0x2080;
	s31 =	simm.s32 $0x1;
	[tilespmem:$0x20F0] =	vst v63  }
0x137: {  	[hbm4b:s2+s30] =	stream.linear.scatter [tilespmem:s4], [sflag:$0x1], $0x80, $0x38;
	[tilespmem:$0x2100] =	vst v63  }
0x138: {  	_ =	swait.ge [sflag:s31], $0x80  }
0x139: {  	[sflag:s31] =	ssyncset.done $0x0  }
0x13a: {  	[sflag:s31] =	ssyncadd.s32 $0xFFFFFF80  }
0x13b: {  	_ =	sfence.sel $0x180000  }
0x13c: {  	[bflag:$0x0] =	sbarrier.arrive $0xFFFF  }
0x13d: {  	p0 =	sne.s32 s1, $0x0;
	_ =	strace $0x90000047  }
0x13e: {  	s0 =	sadd.s32 @!p0 $0x100000, s0;
	[bflag:$0x2] =	sbarrier.arrive $0xFFFF  }
0x13f: {  	[sflag:s0] =	ssyncadd.tile.s32 @!p0 $0x1;
	_ =	shalt  }
.Lfunc_end2:
_tile_overlayer_lowered:
.L_overlay_start_2:
0x140: {  	(tag) =	ssettag $0x2  }
0x141: {  	s0 =	rddreg [dreg:$0x0];
	s2 =	stileid.u32  }
0x142: {  	s1 =	rddreg [dreg:$0x1];
	p0 =	sne.s32 s2, $0x0  }
0x143: {  	s3 =	rddreg [dreg:$0x2];
	[bflag:$0x3] =	sbarrier.arrive $0xFFFF;
	s2 =	simm.s32 @!p0 $0x1C01  }
0x144: {  	[timem:s3], [sflag:s2] =	dma.local @!p0 [hbm:s0], s1  }
0x145: {  	s0 =	simm.s32 @!p0 $0x1  }
0x146: {  	_ =	swait.ge @!p0 [sflag:s0], s1  }
0x147: {  	s1 =	ssub.s32 @!p0 $0x0, s1;
	[sflag:s0] =	ssyncset.done @!p0 $0x0  }
0x148: {  	[sflag:s0] =	ssyncadd.s32 @!p0 s1  }
0x149: {  	[bflag:$0x3] =	sbarrier.arrive $0xFFFF  }
0x14a: {  	_ =	shalt  }

</sc_bundles>
